<compile_context>
chip_gen: v7x
topology: tpu7x:2x2x1
jax: 0.10.2.dev20260603
libtpu: 0.0.44.dev20260713+nightly
codegen_flags: <defaults>
</compile_context>

<pallas_src>
import functools

import jax
import jax.numpy as jnp
from jax import lax
from jax.experimental import pallas as pl
from jax.experimental.pallas import tpu as pltpu
from jax.experimental.pallas import tpu_sc as plsc

N = 10000
E = 320000
D_IN = 128
D_HID = 128
D_OUT = 7
D_PAD = 16

NC, NS = 2, 16
NW = NC * NS
EPT = E // NW
C = 80
NCHUNK = EPT // C
N_PAD = 10240
RPT = N_PAD // NS
ZROWS = C
NZCP = RPT // ZROWS


def _make_prop(D, gather):
    mesh = plsc.VectorSubcoreMesh(core_axis_name="c", subcore_axis_name="s")
    scratch = [
        pltpu.VMEM((NCHUNK, C), jnp.int32),
        pltpu.VMEM((NCHUNK, C), jnp.int32),
        pltpu.VMEM((C, D), jnp.float32),
        pltpu.VMEM((C, D), jnp.float32),
        pltpu.VMEM_SHARED((N_PAD, D), jnp.float32),
        pltpu.SemaphoreType.DMA,
        pltpu.SemaphoreType.DMA,
        pltpu.SemaphoreType.DMA,
        pltpu.SemaphoreType.DMA,
    ]

    def body(*refs):
        if gather:
            (table, srcv, dstv, out, sidx, didx, rows0, rows1, acc,
             gsem0, gsem1, ssem0, ssem1) = refs
        else:
            (srcv, dstv, out, sidx, didx, rows0, rows1, acc,
             gsem0, gsem1, ssem0, ssem1) = refs
            table = None
        rows = (rows0, rows1)
        gsem = (gsem0, gsem1)
        ssem = (ssem0, ssem1)
        cid = lax.axis_index("c")
        sid = lax.axis_index("s")
        wid = cid * NS + sid

        zero16 = jnp.zeros((16,), jnp.float32)

        def zrow(i, carry):
            for j in range(D // 16):
                rows0[i, pl.ds(j * 16, 16)] = zero16
            return carry

        lax.fori_loop(0, ZROWS, zrow, 0)

        def zcp(j, carry):
            pltpu.sync_copy(rows0, acc.at[pl.ds(sid * RPT + j * ZROWS, ZROWS)])
            return carry

        lax.fori_loop(0, NZCP, zcp, 0)

        pltpu.sync_copy(dstv.at[wid], didx)
        if gather:
            pltpu.sync_copy(srcv.at[wid], sidx)
        else:
            one16 = jnp.ones((16,), jnp.float32)

            def orow(i, carry):
                for j in range(D // 16):
                    rows0[i, pl.ds(j * 16, 16)] = one16
                return carry

            lax.fori_loop(0, C, orow, 0)

        plsc.subcore_barrier()

        if gather:
            def gfire(g, b):
                pltpu.async_copy(table.at[sidx.at[g]], rows[b], gsem[b])

            def gwait(g, b):
                pltpu.make_async_copy(
                    table.at[sidx.at[g]], rows[b], gsem[b]).wait()

            def sfire(g, b):
                pltpu.async_copy(rows[b], acc.at[didx.at[g]], ssem[b],
                                 add=True)

            def swait(g, b):
                pltpu.make_async_copy(
                    rows[b], acc.at[didx.at[g]], ssem[b]).wait()

            gfire(0, 0)
            gfire(1, 1)
            T = NCHUNK // 2

            def step(t, carry):
                g = 2 * t
                gwait(g, 0)
                sfire(g, 0)
                gwait(g + 1, 1)
                sfire(g + 1, 1)

                @pl.when(t < T - 1)
                def _():
                    swait(g, 0)
                    gfire(g + 2, 0)
                    swait(g + 1, 1)
                    gfire(g + 3, 1)

                return carry

            lax.fori_loop(0, T, step, 0)
            g_last = NCHUNK - 1
            swait(2 * T - 2, 0)
            gfire(g_last, 0)
            gwait(g_last, 0)
            sfire(g_last, 0)
            swait(2 * T - 1, 1)
            swait(g_last, 0)
        else:
            def dfire(g):
                pltpu.async_copy(rows0, acc.at[didx.at[g]], ssem0, add=True)

            def dwait(g):
                pltpu.make_async_copy(rows0, acc.at[didx.at[g]], ssem0).wait()

            dfire(0)

            def step(t, carry):
                dfire(t)
                dwait(t - 1)
                return carry

            lax.fori_loop(1, NCHUNK, step, 0)
            dwait(NCHUNK - 1)

        plsc.subcore_barrier()

        def wout(j, carry):
            r0 = sid * RPT + j * ZROWS
            pltpu.sync_copy(acc.at[pl.ds(r0, ZROWS)],
                            out.at[cid, pl.ds(r0, ZROWS)])
            return carry

        lax.fori_loop(0, NZCP, wout, 0)

    return pl.kernel(
        body,
        out_type=jax.ShapeDtypeStruct((NC, N_PAD, D), jnp.float32),
        mesh=mesh,
        scratch_types=scratch,
        compiler_params=pltpu.CompilerParams(use_tc_tiling_on_sc=False),
    )


_prop128 = _make_prop(D_HID, gather=True)
_prop16 = _make_prop(D_PAD, gather=True)
_degree = _make_prop(D_PAD, gather=False)


def _dinv(degp_ref):
    deg = degp_ref[0, :N, :1] + degp_ref[1, :N, :1] + 1.0
    return lax.rsqrt(deg)


def _tc1_body(x_ref, w_ref, degp_ref, xs_ref):
    dinv = _dinv(degp_ref)
    xw = jnp.dot(x_ref[...], w_ref[...], preferred_element_type=jnp.float32)
    xs_ref[...] = xw * dinv


def _tc2_body(acc_ref, xs_ref, degp_ref, w2_ref, b1_ref, zs_ref):
    dinv = _dinv(degp_ref)
    h = (acc_ref[0, :N] + acc_ref[1, :N] + xs_ref[...]) * dinv + b1_ref[...]
    h = jnp.maximum(h, 0.0)
    z = jnp.dot(h, w2_ref[...], preferred_element_type=jnp.float32)
    zs_ref[...] = z * dinv


def _tc3_body(acc_ref, zs_ref, degp_ref, b2_ref, out_ref):
    dinv = _dinv(degp_ref)
    out_ref[...] = (acc_ref[0, :N] + acc_ref[1, :N] + zs_ref[...]) * dinv \
        + b2_ref[...]


_tc1 = pl.pallas_call(
    _tc1_body, out_shape=jax.ShapeDtypeStruct((N, D_HID), jnp.float32))
_tc2 = pl.pallas_call(
    _tc2_body, out_shape=jax.ShapeDtypeStruct((N, D_PAD), jnp.float32))
_tc3 = pl.pallas_call(
    _tc3_body, out_shape=jax.ShapeDtypeStruct((N, D_PAD), jnp.float32))


def kernel(x, edge_index, W1, b1, W2, b2):
    src = edge_index[0].reshape(NW, NCHUNK, C)
    dst = edge_index[1].reshape(NW, NCHUNK, C)
    w2p = jnp.zeros((D_HID, D_PAD), jnp.float32).at[:, :D_OUT].set(W2)
    b1r = b1.reshape(1, D_HID)
    b2r = jnp.zeros((1, D_PAD), jnp.float32).at[0, :D_OUT].set(b2)

    degp = _degree(src, dst)
    xs = _tc1(x, W1, degp)
    acc1 = _prop128(xs, src, dst)
    zs = _tc2(acc1, xs, degp, w2p, b1r)
    acc2 = _prop16(zs, src, dst)
    out16 = _tc3(acc2, zs, degp, b2r)
    return out16[:, :D_OUT]

# --- scband reference (transcript-rebuilt; emitter-appended) ---
"""Pipeline reference for scband-node-classifier-25400436589170 (READ-ONLY COPY).

The authoritative reference and input builder live on the scoring server;
editing this copy changes nothing except your own understanding.
"""

import jax, jax.numpy as jnp
import numpy as np

N = 10000
E = 320000
D_IN = 128
D_HID = 128
D_OUT = 7


def setup_inputs(seed: int = 0) -> dict:
    key = jax.random.key(seed)
    k1, k2, k3, k4 = jax.random.split(key, 4)
    x = jax.random.normal(k1, (N, D_IN), dtype=jnp.float32)
    edge_index = jax.random.randint(k2, (2, E), 0, N, dtype=jnp.int32)
    # GCNConv layer 1 params (glorot-ish scale)
    W1 = jax.random.normal(k3, (D_IN, D_HID), dtype=jnp.float32) * (1.0 / np.sqrt(D_IN))
    b1 = jnp.zeros((D_HID,), dtype=jnp.float32)
    # GCNConv layer 2 params
    W2 = jax.random.normal(k4, (D_HID, D_OUT), dtype=jnp.float32) * (1.0 / np.sqrt(D_HID))
    b2 = jnp.zeros((D_OUT,), dtype=jnp.float32)
    return {"x": x, "edge_index": edge_index, "W1": W1, "b1": b1, "W2": W2, "b2": b2}


def _gcn_conv(x, src_f, dst_f, norm, W, b, n_nodes):
    # x' = D^-1/2 (A + I) D^-1/2 X W + b
    xw = x @ W
    msg = xw[src_f] * norm[:, None]
    out = jax.ops.segment_sum(msg, dst_f, num_segments=n_nodes)
    return out + b


def reference(x, edge_index, W1, b1, W2, b2):
    n_nodes = x.shape[0]
    src, dst = edge_index[0], edge_index[1]
    # add self loops (PyG GCNConv default add_self_loops=True)
    loop = jnp.arange(n_nodes, dtype=src.dtype)
    src_f = jnp.concatenate([src, loop])
    dst_f = jnp.concatenate([dst, loop])
    ones = jnp.ones((src_f.shape[0],), dtype=x.dtype)
    deg = jax.ops.segment_sum(ones, dst_f, num_segments=n_nodes)
    dinv = jnp.where(deg > 0, jax.lax.rsqrt(deg), 0.0)
    norm = dinv[src_f] * dinv[dst_f]
    # layer 1 + relu (dropout inactive in eval mode)
    h = _gcn_conv(x, src_f, dst_f, norm, W1, b1, n_nodes)
    h = jax.nn.relu(h)
    # layer 2 (logits)
    out = _gcn_conv(h, src_f, dst_f, norm, W2, b2, n_nodes)
    return out

if __name__ == "__main__":
    import jax
    _d = setup_inputs()
    print(jax.jit(kernel)(*tuple(_d.values())))

</pallas_src>

<mosaic_0001>
#map = affine_map<(d0, d1) -> (0, 0, 0)>
module attributes {stable_mosaic.version = 14 : i64} {
  func.func @body(%arg0: i32, %arg1: i32, %arg2: memref<32x125x80xi32, #tpu.memory_space<hbm>>, %arg3: memref<32x125x80xi32, #tpu.memory_space<hbm>>, %arg4: memref<2x10240x16xf32, #tpu.memory_space<hbm>>, %arg5: memref<125x80xi32, #tpu.memory_space<vmem>>, %arg6: memref<125x80xi32, #tpu.memory_space<vmem>>, %arg7: memref<80x16xf32, #tpu.memory_space<vmem>>, %arg8: memref<80x16xf32, #tpu.memory_space<vmem>>, %arg9: memref<10240x16xf32, #tpu.memory_space<vmem_shared>>, %arg10: memref<!tpu.dma_semaphore, #tpu.memory_space<semaphore_mem>>, %arg11: memref<!tpu.dma_semaphore, #tpu.memory_space<semaphore_mem>>, %arg12: memref<!tpu.dma_semaphore, #tpu.memory_space<semaphore_mem>>, %arg13: memref<!tpu.dma_semaphore, #tpu.memory_space<semaphore_mem>>) attributes {dimension_semantics = [#tpu.dimension_semantics<core_parallel>, #tpu.dimension_semantics<subcore_parallel>], iteration_bounds = array<i64: 2, 16>, scalar_prefetch = 0 : i64, scratch_operands = 9 : i64, tpu.core_type = #tpu.core_type<sc_vector_subcore>, window_params = [{transform_indices = #map}, {transform_indices = #map}, {transform_indices = #map}]} {
    %mul3A = arith.constant 16 : i32
    %mul3A_0 = arith.muli %arg0, %mul3A : i32
    %add3A = arith.addi %mul3A_0, %arg1 : i32
    %broadcast_in_dim3A = arith.constant 0.000000e+00 : f32
    %broadcast_in_dim3A_1 = vector.broadcast %broadcast_in_dim3A : f32 to vector<16xf32>
    %scan3A = arith.constant 0 : i32
    %scan3A_2 = arith.constant 0 : i32
    %scan3A_3 = arith.constant 80 : i32
    %scan3A_4 = arith.addi %scan3A_2, %scan3A_3 : i32
    %scan3A_5 = arith.constant 1 : i32
    scf.for %scan3A_46 = %scan3A_2 to %scan3A_4 step %scan3A_5  : i32 {
      %swap3A = arith.index_cast %scan3A_46 : i32 to index
      %swap3A_47 = arith.constant 0 : index
      %swap3A_48 = tpu.vector_load %arg7[%swap3A, %swap3A_47] {strides = array<i32>} : memref<80x16xf32, #tpu.memory_space<vmem>>, vector<1x16xf32>,
      %swap3A_49 = vector.shape_cast %swap3A_48 : vector<1x16xf32> to vector<16xf32>
      %swap3A_50 = vector.shape_cast %broadcast_in_dim3A_1 : vector<16xf32> to vector<1x16xf32>
      tpu.vector_store %arg7[%swap3A, %swap3A_47], %swap3A_50 {strides = array<i32>} : memref<80x16xf32, #tpu.memory_space<vmem>>, vector<1x16xf32>,
    }
    %scan3A_6 = arith.constant 80 : i32
    %scan3A_7 = arith.constant 0 : i32
    %scan3A_8 = arith.constant 0 : i32
    %scan3A_9 = arith.constant 8 : i32
    %scan3A_10 = arith.addi %scan3A_8, %scan3A_9 : i32
    %scan3A_11 = arith.constant 1 : i32
    scf.for %scan3A_46 = %scan3A_8 to %scan3A_10 step %scan3A_11  : i32 {
      %mul3A_47 = arith.constant 640 : i32
      %mul3A_48 = arith.muli %arg1, %mul3A_47 : i32
      %mul3A_49 = arith.constant 80 : i32
      %mul3A_50 = arith.muli %scan3A_46, %mul3A_49 : i32
      %add3A_51 = arith.addi %mul3A_48, %mul3A_50 : i32
      "tpu.region"() ({
        %run_scoped3A = tpu.sem_alloc : memref<!tpu.dma_semaphore, #tpu.memory_space<semaphore_mem>>
        %dma_start3A_52 = arith.constant 0 : i32
        %dma_start3A_53 = tpu.memref_slice %arg9[%add3A_51, %dma_start3A_52] : memref<10240x16xf32, #tpu.memory_space<vmem_shared>> -> memref<80x16xf32, #tpu.memory_space<vmem_shared>>
        %dma_start3A_54 = arith.constant 0 : i32
        %dma_start3A_55 = tpu.memref_slice %arg9[%add3A_51, %dma_start3A_54] : memref<10240x16xf32, #tpu.memory_space<vmem_shared>> -> memref<80x16xf32, #tpu.memory_space<vmem_shared>>
        tpu.enqueue_dma source(%arg7 : memref<80x16xf32, #tpu.memory_space<vmem>>) target(%dma_start3A_55 : memref<80x16xf32, #tpu.memory_space<vmem_shared>>) target_semaphore(%run_scoped3A : memref<!tpu.dma_semaphore, #tpu.memory_space<semaphore_mem>>)
        %dma_wait3A_56 = arith.constant 0 : i32
        %dma_wait3A_57 = tpu.memref_slice %arg9[%add3A_51, %dma_wait3A_56] : memref<10240x16xf32, #tpu.memory_space<vmem_shared>> -> memref<80x16xf32, #tpu.memory_space<vmem_shared>>
        %dma_wait3A_58 = arith.constant 0 : i32
        %dma_wait3A_59 = tpu.memref_slice %arg9[%add3A_51, %dma_wait3A_58] : memref<10240x16xf32, #tpu.memory_space<vmem_shared>> -> memref<80x16xf32, #tpu.memory_space<vmem_shared>>
        tpu.wait_dma2 semaphore(%run_scoped3A : memref<!tpu.dma_semaphore, #tpu.memory_space<semaphore_mem>>) src(%arg7 : memref<80x16xf32, #tpu.memory_space<vmem>>) dst(%dma_wait3A_59 : memref<80x16xf32, #tpu.memory_space<vmem_shared>>)
        tpu.yield
      }) : () -> ()
    }
    %scan3A_12 = arith.constant 8 : i32
    "tpu.region"() ({
      %run_scoped3A = tpu.sem_alloc : memref<!tpu.dma_semaphore, #tpu.memory_space<semaphore_mem>>
      %dma_start3A_46 = arith.constant 0 : i32
      %dma_start3A_47 = arith.constant 0 : i32
      %dma_start3A_48 = tpu.memref_slice %arg3[%add3A, %dma_start3A_46, %dma_start3A_47] : memref<32x125x80xi32, #tpu.memory_space<hbm>> -> memref<1x125x80xi32, #tpu.memory_space<hbm>>
      %dma_start3A_49 = tpu.memref_squeeze %dma_start3A_48 : memref<1x125x80xi32, #tpu.memory_space<hbm>> -> memref<125x80xi32, #tpu.memory_space<hbm>>
      %dma_start3A_50 = arith.constant 0 : i32
      %dma_start3A_51 = arith.constant 0 : i32
      %dma_start3A_52 = tpu.memref_slice %arg3[%add3A, %dma_start3A_50, %dma_start3A_51] : memref<32x125x80xi32, #tpu.memory_space<hbm>> -> memref<1x125x80xi32, #tpu.memory_space<hbm>>
      %dma_start3A_53 = tpu.memref_squeeze %dma_start3A_52 : memref<1x125x80xi32, #tpu.memory_space<hbm>> -> memref<125x80xi32, #tpu.memory_space<hbm>>
      tpu.enqueue_dma source(%dma_start3A_53 : memref<125x80xi32, #tpu.memory_space<hbm>>) target(%arg6 : memref<125x80xi32, #tpu.memory_space<vmem>>) target_semaphore(%run_scoped3A : memref<!tpu.dma_semaphore, #tpu.memory_space<semaphore_mem>>)
      %dma_wait3A_54 = arith.constant 0 : i32
      %dma_wait3A_55 = arith.constant 0 : i32
      %dma_wait3A_56 = tpu.memref_slice %arg3[%add3A, %dma_wait3A_54, %dma_wait3A_55] : memref<32x125x80xi32, #tpu.memory_space<hbm>> -> memref<1x125x80xi32, #tpu.memory_space<hbm>>
      %dma_wait3A_57 = tpu.memref_squeeze %dma_wait3A_56 : memref<1x125x80xi32, #tpu.memory_space<hbm>> -> memref<125x80xi32, #tpu.memory_space<hbm>>
      %dma_wait3A_58 = arith.constant 0 : i32
      %dma_wait3A_59 = arith.constant 0 : i32
      %dma_wait3A_60 = tpu.memref_slice %arg3[%add3A, %dma_wait3A_58, %dma_wait3A_59] : memref<32x125x80xi32, #tpu.memory_space<hbm>> -> memref<1x125x80xi32, #tpu.memory_space<hbm>>
      %dma_wait3A_61 = tpu.memref_squeeze %dma_wait3A_60 : memref<1x125x80xi32, #tpu.memory_space<hbm>> -> memref<125x80xi32, #tpu.memory_space<hbm>>
      tpu.wait_dma2 semaphore(%run_scoped3A : memref<!tpu.dma_semaphore, #tpu.memory_space<semaphore_mem>>) src(%dma_wait3A_61 : memref<125x80xi32, #tpu.memory_space<hbm>>) dst(%arg6 : memref<125x80xi32, #tpu.memory_space<vmem>>)
      tpu.yield
    }) : () -> ()
    %broadcast_in_dim3A_13 = arith.constant 1.000000e+00 : f32
    %broadcast_in_dim3A_14 = vector.broadcast %broadcast_in_dim3A_13 : f32 to vector<16xf32>
    %scan3A_15 = arith.constant 0 : i32
    %scan3A_16 = arith.constant 0 : i32
    %scan3A_17 = arith.constant 80 : i32
    %scan3A_18 = arith.addi %scan3A_16, %scan3A_17 : i32
    %scan3A_19 = arith.constant 1 : i32
    scf.for %scan3A_46 = %scan3A_16 to %scan3A_18 step %scan3A_19  : i32 {
      %swap3A = arith.index_cast %scan3A_46 : i32 to index
      %swap3A_47 = arith.constant 0 : index
      %swap3A_48 = tpu.vector_load %arg7[%swap3A, %swap3A_47] {strides = array<i32>} : memref<80x16xf32, #tpu.memory_space<vmem>>, vector<1x16xf32>,
      %swap3A_49 = vector.shape_cast %swap3A_48 : vector<1x16xf32> to vector<16xf32>
      %swap3A_50 = vector.shape_cast %broadcast_in_dim3A_14 : vector<16xf32> to vector<1x16xf32>
      tpu.vector_store %arg7[%swap3A, %swap3A_47], %swap3A_50 {strides = array<i32>} : memref<80x16xf32, #tpu.memory_space<vmem>>, vector<1x16xf32>,
    }
    %scan3A_20 = arith.constant 80 : i32
    %barrier3A = arith.constant 0 : index
    tpu.barrier barrier_id(%barrier3A)
    %dma_start3A = arith.constant 0 : i32
    %dma_start3A_21 = arith.constant 0 : i32
    %dma_start3A_22 = tpu.memref_slice %arg6[%dma_start3A, %dma_start3A_21] : memref<125x80xi32, #tpu.memory_space<vmem>> -> memref<1x80xi32, #tpu.memory_space<vmem>>
    %dma_start3A_23 = tpu.memref_squeeze %dma_start3A_22 : memref<1x80xi32, #tpu.memory_space<vmem>> -> memref<80xi32, #tpu.memory_space<vmem>>
    %dma_start3A_24 = arith.constant 0 : i32
    %dma_start3A_25 = arith.constant 0 : i32
    %dma_start3A_26 = tpu.memref_slice %arg9[%dma_start3A_24, %dma_start3A_25] : memref<10240x16xf32, #tpu.memory_space<vmem_shared>> -> memref<10240x16xf32, #tpu.memory_space<vmem_shared>>
    tpu.enqueue_indirect_dma source(%arg7 : memref<80x16xf32, #tpu.memory_space<vmem>>) target(%dma_start3A_26 : memref<10240x16xf32, #tpu.memory_space<vmem_shared>>) offsets(%dma_start3A_23 : memref<80xi32, #tpu.memory_space<vmem>>) semaphore(%arg12 : memref<!tpu.dma_semaphore, #tpu.memory_space<semaphore_mem>>) {add = true}
    %scan3A_27 = arith.constant 0 : i32
    %scan3A_28 = arith.constant 1 : i32
    %scan3A_29 = arith.constant 124 : i32
    %scan3A_30 = arith.addi %scan3A_28, %scan3A_29 : i32
    %scan3A_31 = arith.constant 1 : i32
    scf.for %scan3A_46 = %scan3A_28 to %scan3A_30 step %scan3A_31  : i32 {
      %dma_start3A_47 = arith.constant 0 : i32
      %dma_start3A_48 = tpu.memref_slice %arg6[%scan3A_46, %dma_start3A_47] : memref<125x80xi32, #tpu.memory_space<vmem>> -> memref<1x80xi32, #tpu.memory_space<vmem>>
      %dma_start3A_49 = tpu.memref_squeeze %dma_start3A_48 : memref<1x80xi32, #tpu.memory_space<vmem>> -> memref<80xi32, #tpu.memory_space<vmem>>
      %dma_start3A_50 = arith.constant 0 : i32
      %dma_start3A_51 = arith.constant 0 : i32
      %dma_start3A_52 = tpu.memref_slice %arg9[%dma_start3A_50, %dma_start3A_51] : memref<10240x16xf32, #tpu.memory_space<vmem_shared>> -> memref<10240x16xf32, #tpu.memory_space<vmem_shared>>
      tpu.enqueue_indirect_dma source(%arg7 : memref<80x16xf32, #tpu.memory_space<vmem>>) target(%dma_start3A_52 : memref<10240x16xf32, #tpu.memory_space<vmem_shared>>) offsets(%dma_start3A_49 : memref<80xi32, #tpu.memory_space<vmem>>) semaphore(%arg12 : memref<!tpu.dma_semaphore, #tpu.memory_space<semaphore_mem>>) {add = true}
      %sub3A = arith.constant 1 : i32
      %sub3A_53 = arith.subi %scan3A_46, %sub3A : i32
      %dma_wait3A_54 = arith.constant 0 : i32
      %dma_wait3A_55 = tpu.memref_slice %arg6[%sub3A_53, %dma_wait3A_54] : memref<125x80xi32, #tpu.memory_space<vmem>> -> memref<1x80xi32, #tpu.memory_space<vmem>>
      %dma_wait3A_56 = tpu.memref_squeeze %dma_wait3A_55 : memref<1x80xi32, #tpu.memory_space<vmem>> -> memref<80xi32, #tpu.memory_space<vmem>>
      %dma_wait3A_57 = arith.constant 0 : i32
      %dma_wait3A_58 = arith.constant 0 : i32
      %dma_wait3A_59 = tpu.memref_slice %arg9[%dma_wait3A_57, %dma_wait3A_58] : memref<10240x16xf32, #tpu.memory_space<vmem_shared>> -> memref<10240x16xf32, #tpu.memory_space<vmem_shared>>
      tpu.wait_indirect_dma semaphore(%arg12 : memref<!tpu.dma_semaphore, #tpu.memory_space<semaphore_mem>>) src(%arg7 : memref<80x16xf32, #tpu.memory_space<vmem>>) dst(%dma_wait3A_59 : memref<10240x16xf32, #tpu.memory_space<vmem_shared>>)
    }
    %scan3A_32 = arith.constant 124 : i32
    %dma_wait3A = arith.constant 124 : i32
    %dma_wait3A_33 = arith.constant 0 : i32
    %dma_wait3A_34 = tpu.memref_slice %arg6[%dma_wait3A, %dma_wait3A_33] : memref<125x80xi32, #tpu.memory_space<vmem>> -> memref<1x80xi32, #tpu.memory_space<vmem>>
    %dma_wait3A_35 = tpu.memref_squeeze %dma_wait3A_34 : memref<1x80xi32, #tpu.memory_space<vmem>> -> memref<80xi32, #tpu.memory_space<vmem>>
    %dma_wait3A_36 = arith.constant 0 : i32
    %dma_wait3A_37 = arith.constant 0 : i32
    %dma_wait3A_38 = tpu.memref_slice %arg9[%dma_wait3A_36, %dma_wait3A_37] : memref<10240x16xf32, #tpu.memory_space<vmem_shared>> -> memref<10240x16xf32, #tpu.memory_space<vmem_shared>>
    tpu.wait_indirect_dma semaphore(%arg12 : memref<!tpu.dma_semaphore, #tpu.memory_space<semaphore_mem>>) src(%arg7 : memref<80x16xf32, #tpu.memory_space<vmem>>) dst(%dma_wait3A_38 : memref<10240x16xf32, #tpu.memory_space<vmem_shared>>)
    %barrier3A_39 = arith.constant 0 : index
    tpu.barrier barrier_id(%barrier3A_39)
    %scan3A_40 = arith.constant 0 : i32
    %scan3A_41 = arith.constant 0 : i32
    %scan3A_42 = arith.constant 8 : i32
    %scan3A_43 = arith.addi %scan3A_41, %scan3A_42 : i32
    %scan3A_44 = arith.constant 1 : i32
    scf.for %scan3A_46 = %scan3A_41 to %scan3A_43 step %scan3A_44  : i32 {
      %mul3A_47 = arith.constant 640 : i32
      %mul3A_48 = arith.muli %arg1, %mul3A_47 : i32
      %mul3A_49 = arith.constant 80 : i32
      %mul3A_50 = arith.muli %scan3A_46, %mul3A_49 : i32
      %add3A_51 = arith.addi %mul3A_48, %mul3A_50 : i32
      "tpu.region"() ({
        %run_scoped3A = tpu.sem_alloc : memref<!tpu.dma_semaphore, #tpu.memory_space<semaphore_mem>>
        %dma_start3A_52 = arith.constant 0 : i32
        %dma_start3A_53 = tpu.memref_slice %arg4[%arg0, %add3A_51, %dma_start3A_52] : memref<2x10240x16xf32, #tpu.memory_space<hbm>> -> memref<1x80x16xf32, #tpu.memory_space<hbm>>
        %dma_start3A_54 = tpu.memref_squeeze %dma_start3A_53 : memref<1x80x16xf32, #tpu.memory_space<hbm>> -> memref<80x16xf32, #tpu.memory_space<hbm>>
        %dma_start3A_55 = arith.constant 0 : i32
        %dma_start3A_56 = tpu.memref_slice %arg9[%add3A_51, %dma_start3A_55] : memref<10240x16xf32, #tpu.memory_space<vmem_shared>> -> memref<80x16xf32, #tpu.memory_space<vmem_shared>>
        tpu.enqueue_dma source(%dma_start3A_56 : memref<80x16xf32, #tpu.memory_space<vmem_shared>>) target(%dma_start3A_54 : memref<80x16xf32, #tpu.memory_space<hbm>>) target_semaphore(%run_scoped3A : memref<!tpu.dma_semaphore, #tpu.memory_space<semaphore_mem>>)
        %dma_wait3A_57 = arith.constant 0 : i32
        %dma_wait3A_58 = tpu.memref_slice %arg4[%arg0, %add3A_51, %dma_wait3A_57] : memref<2x10240x16xf32, #tpu.memory_space<hbm>> -> memref<1x80x16xf32, #tpu.memory_space<hbm>>
        %dma_wait3A_59 = tpu.memref_squeeze %dma_wait3A_58 : memref<1x80x16xf32, #tpu.memory_space<hbm>> -> memref<80x16xf32, #tpu.memory_space<hbm>>
        %dma_wait3A_60 = arith.constant 0 : i32
        %dma_wait3A_61 = tpu.memref_slice %arg9[%add3A_51, %dma_wait3A_60] : memref<10240x16xf32, #tpu.memory_space<vmem_shared>> -> memref<80x16xf32, #tpu.memory_space<vmem_shared>>
        tpu.wait_dma2 semaphore(%run_scoped3A : memref<!tpu.dma_semaphore, #tpu.memory_space<semaphore_mem>>) src(%dma_wait3A_61 : memref<80x16xf32, #tpu.memory_space<vmem_shared>>) dst(%dma_wait3A_59 : memref<80x16xf32, #tpu.memory_space<hbm>>)
        tpu.yield
      }) : () -> ()
    }
    %scan3A_45 = arith.constant 8 : i32
    return
  }
}

#map = affine_map<(d0, d1) -> (0, 0)>
#map1 = affine_map<(d0, d1) -> (0, 0, 0)>
module attributes {stable_mosaic.version = 14 : i64} {
  func.func @body(%arg0: i32, %arg1: i32, %arg2: memref<10000x16xf32, #tpu.memory_space<hbm>>, %arg3: memref<32x125x80xi32, #tpu.memory_space<hbm>>, %arg4: memref<32x125x80xi32, #tpu.memory_space<hbm>>, %arg5: memref<2x10240x16xf32, #tpu.memory_space<hbm>>, %arg6: memref<125x80xi32, #tpu.memory_space<vmem>>, %arg7: memref<125x80xi32, #tpu.memory_space<vmem>>, %arg8: memref<80x16xf32, #tpu.memory_space<vmem>>, %arg9: memref<80x16xf32, #tpu.memory_space<vmem>>, %arg10: memref<10240x16xf32, #tpu.memory_space<vmem_shared>>, %arg11: memref<!tpu.dma_semaphore, #tpu.memory_space<semaphore_mem>>, %arg12: memref<!tpu.dma_semaphore, #tpu.memory_space<semaphore_mem>>, %arg13: memref<!tpu.dma_semaphore, #tpu.memory_space<semaphore_mem>>, %arg14: memref<!tpu.dma_semaphore, #tpu.memory_space<semaphore_mem>>) attributes {dimension_semantics = [#tpu.dimension_semantics<core_parallel>, #tpu.dimension_semantics<subcore_parallel>], iteration_bounds = array<i64: 2, 16>, scalar_prefetch = 0 : i64, scratch_operands = 9 : i64, tpu.core_type = #tpu.core_type<sc_vector_subcore>, window_params = [{transform_indices = #map}, {transform_indices = #map1}, {transform_indices = #map1}, {transform_indices = #map1}]} {
    %mul3A = arith.constant 16 : i32
    %mul3A_0 = arith.muli %arg0, %mul3A : i32
    %add3A = arith.addi %mul3A_0, %arg1 : i32
    %broadcast_in_dim3A = arith.constant 0.000000e+00 : f32
    %broadcast_in_dim3A_1 = vector.broadcast %broadcast_in_dim3A : f32 to vector<16xf32>
    %scan3A = arith.constant 0 : i32
    %scan3A_2 = arith.constant 0 : i32
    %scan3A_3 = arith.constant 80 : i32
    %scan3A_4 = arith.addi %scan3A_2, %scan3A_3 : i32
    %scan3A_5 = arith.constant 1 : i32
    scf.for %scan3A_80 = %scan3A_2 to %scan3A_4 step %scan3A_5  : i32 {
      %swap3A = arith.index_cast %scan3A_80 : i32 to index
      %swap3A_81 = arith.constant 0 : index
      %swap3A_82 = tpu.vector_load %arg8[%swap3A, %swap3A_81] {strides = array<i32>} : memref<80x16xf32, #tpu.memory_space<vmem>>, vector<1x16xf32>,
      %swap3A_83 = vector.shape_cast %swap3A_82 : vector<1x16xf32> to vector<16xf32>
      %swap3A_84 = vector.shape_cast %broadcast_in_dim3A_1 : vector<16xf32> to vector<1x16xf32>
      tpu.vector_store %arg8[%swap3A, %swap3A_81], %swap3A_84 {strides = array<i32>} : memref<80x16xf32, #tpu.memory_space<vmem>>, vector<1x16xf32>,
    }
    %scan3A_6 = arith.constant 80 : i32
    %scan3A_7 = arith.constant 0 : i32
    %scan3A_8 = arith.constant 0 : i32
    %scan3A_9 = arith.constant 8 : i32
    %scan3A_10 = arith.addi %scan3A_8, %scan3A_9 : i32
    %scan3A_11 = arith.constant 1 : i32
    scf.for %scan3A_80 = %scan3A_8 to %scan3A_10 step %scan3A_11  : i32 {
      %mul3A_81 = arith.constant 640 : i32
      %mul3A_82 = arith.muli %arg1, %mul3A_81 : i32
      %mul3A_83 = arith.constant 80 : i32
      %mul3A_84 = arith.muli %scan3A_80, %mul3A_83 : i32
      %add3A_85 = arith.addi %mul3A_82, %mul3A_84 : i32
      "tpu.region"() ({
        %run_scoped3A = tpu.sem_alloc : memref<!tpu.dma_semaphore, #tpu.memory_space<semaphore_mem>>
        %dma_start3A_86 = arith.constant 0 : i32
        %dma_start3A_87 = tpu.memref_slice %arg10[%add3A_85, %dma_start3A_86] : memref<10240x16xf32, #tpu.memory_space<vmem_shared>> -> memref<80x16xf32, #tpu.memory_space<vmem_shared>>
        %dma_start3A_88 = arith.constant 0 : i32
        %dma_start3A_89 = tpu.memref_slice %arg10[%add3A_85, %dma_start3A_88] : memref<10240x16xf32, #tpu.memory_space<vmem_shared>> -> memref<80x16xf32, #tpu.memory_space<vmem_shared>>
        tpu.enqueue_dma source(%arg8 : memref<80x16xf32, #tpu.memory_space<vmem>>) target(%dma_start3A_89 : memref<80x16xf32, #tpu.memory_space<vmem_shared>>) target_semaphore(%run_scoped3A : memref<!tpu.dma_semaphore, #tpu.memory_space<semaphore_mem>>)
        %dma_wait3A_90 = arith.constant 0 : i32
        %dma_wait3A_91 = tpu.memref_slice %arg10[%add3A_85, %dma_wait3A_90] : memref<10240x16xf32, #tpu.memory_space<vmem_shared>> -> memref<80x16xf32, #tpu.memory_space<vmem_shared>>
        %dma_wait3A_92 = arith.constant 0 : i32
        %dma_wait3A_93 = tpu.memref_slice %arg10[%add3A_85, %dma_wait3A_92] : memref<10240x16xf32, #tpu.memory_space<vmem_shared>> -> memref<80x16xf32, #tpu.memory_space<vmem_shared>>
        tpu.wait_dma2 semaphore(%run_scoped3A : memref<!tpu.dma_semaphore, #tpu.memory_space<semaphore_mem>>) src(%arg8 : memref<80x16xf32, #tpu.memory_space<vmem>>) dst(%dma_wait3A_93 : memref<80x16xf32, #tpu.memory_space<vmem_shared>>)
        tpu.yield
      }) : () -> ()
    }
    %scan3A_12 = arith.constant 8 : i32
    "tpu.region"() ({
      %run_scoped3A = tpu.sem_alloc : memref<!tpu.dma_semaphore, #tpu.memory_space<semaphore_mem>>
      %dma_start3A_80 = arith.constant 0 : i32
      %dma_start3A_81 = arith.constant 0 : i32
      %dma_start3A_82 = tpu.memref_slice %arg4[%add3A, %dma_start3A_80, %dma_start3A_81] : memref<32x125x80xi32, #tpu.memory_space<hbm>> -> memref<1x125x80xi32, #tpu.memory_space<hbm>>
      %dma_start3A_83 = tpu.memref_squeeze %dma_start3A_82 : memref<1x125x80xi32, #tpu.memory_space<hbm>> -> memref<125x80xi32, #tpu.memory_space<hbm>>
      %dma_start3A_84 = arith.constant 0 : i32
      %dma_start3A_85 = arith.constant 0 : i32
      %dma_start3A_86 = tpu.memref_slice %arg4[%add3A, %dma_start3A_84, %dma_start3A_85] : memref<32x125x80xi32, #tpu.memory_space<hbm>> -> memref<1x125x80xi32, #tpu.memory_space<hbm>>
      %dma_start3A_87 = tpu.memref_squeeze %dma_start3A_86 : memref<1x125x80xi32, #tpu.memory_space<hbm>> -> memref<125x80xi32, #tpu.memory_space<hbm>>
      tpu.enqueue_dma source(%dma_start3A_87 : memref<125x80xi32, #tpu.memory_space<hbm>>) target(%arg7 : memref<125x80xi32, #tpu.memory_space<vmem>>) target_semaphore(%run_scoped3A : memref<!tpu.dma_semaphore, #tpu.memory_space<semaphore_mem>>)
      %dma_wait3A_88 = arith.constant 0 : i32
      %dma_wait3A_89 = arith.constant 0 : i32
      %dma_wait3A_90 = tpu.memref_slice %arg4[%add3A, %dma_wait3A_88, %dma_wait3A_89] : memref<32x125x80xi32, #tpu.memory_space<hbm>> -> memref<1x125x80xi32, #tpu.memory_space<hbm>>
      %dma_wait3A_91 = tpu.memref_squeeze %dma_wait3A_90 : memref<1x125x80xi32, #tpu.memory_space<hbm>> -> memref<125x80xi32, #tpu.memory_space<hbm>>
      %dma_wait3A_92 = arith.constant 0 : i32
      %dma_wait3A_93 = arith.constant 0 : i32
      %dma_wait3A_94 = tpu.memref_slice %arg4[%add3A, %dma_wait3A_92, %dma_wait3A_93] : memref<32x125x80xi32, #tpu.memory_space<hbm>> -> memref<1x125x80xi32, #tpu.memory_space<hbm>>
      %dma_wait3A_95 = tpu.memref_squeeze %dma_wait3A_94 : memref<1x125x80xi32, #tpu.memory_space<hbm>> -> memref<125x80xi32, #tpu.memory_space<hbm>>
      tpu.wait_dma2 semaphore(%run_scoped3A : memref<!tpu.dma_semaphore, #tpu.memory_space<semaphore_mem>>) src(%dma_wait3A_95 : memref<125x80xi32, #tpu.memory_space<hbm>>) dst(%arg7 : memref<125x80xi32, #tpu.memory_space<vmem>>)
      tpu.yield
    }) : () -> ()
    "tpu.region"() ({
      %run_scoped3A = tpu.sem_alloc : memref<!tpu.dma_semaphore, #tpu.memory_space<semaphore_mem>>
      %dma_start3A_80 = arith.constant 0 : i32
      %dma_start3A_81 = arith.constant 0 : i32
      %dma_start3A_82 = tpu.memref_slice %arg3[%add3A, %dma_start3A_80, %dma_start3A_81] : memref<32x125x80xi32, #tpu.memory_space<hbm>> -> memref<1x125x80xi32, #tpu.memory_space<hbm>>
      %dma_start3A_83 = tpu.memref_squeeze %dma_start3A_82 : memref<1x125x80xi32, #tpu.memory_space<hbm>> -> memref<125x80xi32, #tpu.memory_space<hbm>>
      %dma_start3A_84 = arith.constant 0 : i32
      %dma_start3A_85 = arith.constant 0 : i32
      %dma_start3A_86 = tpu.memref_slice %arg3[%add3A, %dma_start3A_84, %dma_start3A_85] : memref<32x125x80xi32, #tpu.memory_space<hbm>> -> memref<1x125x80xi32, #tpu.memory_space<hbm>>
      %dma_start3A_87 = tpu.memref_squeeze %dma_start3A_86 : memref<1x125x80xi32, #tpu.memory_space<hbm>> -> memref<125x80xi32, #tpu.memory_space<hbm>>
      tpu.enqueue_dma source(%dma_start3A_87 : memref<125x80xi32, #tpu.memory_space<hbm>>) target(%arg6 : memref<125x80xi32, #tpu.memory_space<vmem>>) target_semaphore(%run_scoped3A : memref<!tpu.dma_semaphore, #tpu.memory_space<semaphore_mem>>)
      %dma_wait3A_88 = arith.constant 0 : i32
      %dma_wait3A_89 = arith.constant 0 : i32
      %dma_wait3A_90 = tpu.memref_slice %arg3[%add3A, %dma_wait3A_88, %dma_wait3A_89] : memref<32x125x80xi32, #tpu.memory_space<hbm>> -> memref<1x125x80xi32, #tpu.memory_space<hbm>>
      %dma_wait3A_91 = tpu.memref_squeeze %dma_wait3A_90 : memref<1x125x80xi32, #tpu.memory_space<hbm>> -> memref<125x80xi32, #tpu.memory_space<hbm>>
      %dma_wait3A_92 = arith.constant 0 : i32
      %dma_wait3A_93 = arith.constant 0 : i32
      %dma_wait3A_94 = tpu.memref_slice %arg3[%add3A, %dma_wait3A_92, %dma_wait3A_93] : memref<32x125x80xi32, #tpu.memory_space<hbm>> -> memref<1x125x80xi32, #tpu.memory_space<hbm>>
      %dma_wait3A_95 = tpu.memref_squeeze %dma_wait3A_94 : memref<1x125x80xi32, #tpu.memory_space<hbm>> -> memref<125x80xi32, #tpu.memory_space<hbm>>
      tpu.wait_dma2 semaphore(%run_scoped3A : memref<!tpu.dma_semaphore, #tpu.memory_space<semaphore_mem>>) src(%dma_wait3A_95 : memref<125x80xi32, #tpu.memory_space<hbm>>) dst(%arg6 : memref<125x80xi32, #tpu.memory_space<vmem>>)
      tpu.yield
    }) : () -> ()
    %barrier3A = arith.constant 0 : index
    tpu.barrier barrier_id(%barrier3A)
    %dma_start3A = arith.constant 0 : i32
    %dma_start3A_13 = arith.constant 0 : i32
    %dma_start3A_14 = tpu.memref_slice %arg6[%dma_start3A, %dma_start3A_13] : memref<125x80xi32, #tpu.memory_space<vmem>> -> memref<1x80xi32, #tpu.memory_space<vmem>>
    %dma_start3A_15 = tpu.memref_squeeze %dma_start3A_14 : memref<1x80xi32, #tpu.memory_space<vmem>> -> memref<80xi32, #tpu.memory_space<vmem>>
    %dma_start3A_16 = arith.constant 0 : i32
    %dma_start3A_17 = arith.constant 0 : i32
    %dma_start3A_18 = tpu.memref_slice %arg2[%dma_start3A_16, %dma_start3A_17] : memref<10000x16xf32, #tpu.memory_space<hbm>> -> memref<10000x16xf32, #tpu.memory_space<hbm>>
    tpu.enqueue_indirect_dma source(%dma_start3A_18 : memref<10000x16xf32, #tpu.memory_space<hbm>>) target(%arg8 : memref<80x16xf32, #tpu.memory_space<vmem>>) offsets(%dma_start3A_15 : memref<80xi32, #tpu.memory_space<vmem>>) semaphore(%arg11 : memref<!tpu.dma_semaphore, #tpu.memory_space<semaphore_mem>>)
    %dma_start3A_19 = arith.constant 1 : i32
    %dma_start3A_20 = arith.constant 0 : i32
    %dma_start3A_21 = tpu.memref_slice %arg6[%dma_start3A_19, %dma_start3A_20] : memref<125x80xi32, #tpu.memory_space<vmem>> -> memref<1x80xi32, #tpu.memory_space<vmem>>
    %dma_start3A_22 = tpu.memref_squeeze %dma_start3A_21 : memref<1x80xi32, #tpu.memory_space<vmem>> -> memref<80xi32, #tpu.memory_space<vmem>>
    %dma_start3A_23 = arith.constant 0 : i32
    %dma_start3A_24 = arith.constant 0 : i32
    %dma_start3A_25 = tpu.memref_slice %arg2[%dma_start3A_23, %dma_start3A_24] : memref<10000x16xf32, #tpu.memory_space<hbm>> -> memref<10000x16xf32, #tpu.memory_space<hbm>>
    tpu.enqueue_indirect_dma source(%dma_start3A_25 : memref<10000x16xf32, #tpu.memory_space<hbm>>) target(%arg9 : memref<80x16xf32, #tpu.memory_space<vmem>>) offsets(%dma_start3A_22 : memref<80xi32, #tpu.memory_space<vmem>>) semaphore(%arg12 : memref<!tpu.dma_semaphore, #tpu.memory_space<semaphore_mem>>)
    %scan3A_26 = arith.constant 0 : i32
    %scan3A_27 = arith.constant 0 : i32
    %scan3A_28 = arith.constant 62 : i32
    %scan3A_29 = arith.addi %scan3A_27, %scan3A_28 : i32
    %scan3A_30 = arith.constant 1 : i32
    scf.for %scan3A_80 = %scan3A_27 to %scan3A_29 step %scan3A_30  : i32 {
      %mul3A_81 = arith.constant 2 : i32
      %mul3A_82 = arith.muli %mul3A_81, %scan3A_80 : i32
      %dma_wait3A_83 = arith.constant 0 : i32
      %dma_wait3A_84 = tpu.memref_slice %arg6[%mul3A_82, %dma_wait3A_83] : memref<125x80xi32, #tpu.memory_space<vmem>> -> memref<1x80xi32, #tpu.memory_space<vmem>>
      %dma_wait3A_85 = tpu.memref_squeeze %dma_wait3A_84 : memref<1x80xi32, #tpu.memory_space<vmem>> -> memref<80xi32, #tpu.memory_space<vmem>>
      %dma_wait3A_86 = arith.constant 0 : i32
      %dma_wait3A_87 = arith.constant 0 : i32
      %dma_wait3A_88 = tpu.memref_slice %arg2[%dma_wait3A_86, %dma_wait3A_87] : memref<10000x16xf32, #tpu.memory_space<hbm>> -> memref<10000x16xf32, #tpu.memory_space<hbm>>
      tpu.wait_indirect_dma semaphore(%arg11 : memref<!tpu.dma_semaphore, #tpu.memory_space<semaphore_mem>>) src(%dma_wait3A_88 : memref<10000x16xf32, #tpu.memory_space<hbm>>) dst(%arg8 : memref<80x16xf32, #tpu.memory_space<vmem>>)
      %dma_start3A_89 = arith.constant 0 : i32
      %dma_start3A_90 = tpu.memref_slice %arg7[%mul3A_82, %dma_start3A_89] : memref<125x80xi32, #tpu.memory_space<vmem>> -> memref<1x80xi32, #tpu.memory_space<vmem>>
      %dma_start3A_91 = tpu.memref_squeeze %dma_start3A_90 : memref<1x80xi32, #tpu.memory_space<vmem>> -> memref<80xi32, #tpu.memory_space<vmem>>
      %dma_start3A_92 = arith.constant 0 : i32
      %dma_start3A_93 = arith.constant 0 : i32
      %dma_start3A_94 = tpu.memref_slice %arg10[%dma_start3A_92, %dma_start3A_93] : memref<10240x16xf32, #tpu.memory_space<vmem_shared>> -> memref<10240x16xf32, #tpu.memory_space<vmem_shared>>
      tpu.enqueue_indirect_dma source(%arg8 : memref<80x16xf32, #tpu.memory_space<vmem>>) target(%dma_start3A_94 : memref<10240x16xf32, #tpu.memory_space<vmem_shared>>) offsets(%dma_start3A_91 : memref<80xi32, #tpu.memory_space<vmem>>) semaphore(%arg13 : memref<!tpu.dma_semaphore, #tpu.memory_space<semaphore_mem>>) {add = true}
      %add3A_95 = arith.constant 1 : i32
      %add3A_96 = arith.addi %mul3A_82, %add3A_95 : i32
      %dma_wait3A_97 = arith.constant 0 : i32
      %dma_wait3A_98 = tpu.memref_slice %arg6[%add3A_96, %dma_wait3A_97] : memref<125x80xi32, #tpu.memory_space<vmem>> -> memref<1x80xi32, #tpu.memory_space<vmem>>
      %dma_wait3A_99 = tpu.memref_squeeze %dma_wait3A_98 : memref<1x80xi32, #tpu.memory_space<vmem>> -> memref<80xi32, #tpu.memory_space<vmem>>
      %dma_wait3A_100 = arith.constant 0 : i32
      %dma_wait3A_101 = arith.constant 0 : i32
      %dma_wait3A_102 = tpu.memref_slice %arg2[%dma_wait3A_100, %dma_wait3A_101] : memref<10000x16xf32, #tpu.memory_space<hbm>> -> memref<10000x16xf32, #tpu.memory_space<hbm>>
      tpu.wait_indirect_dma semaphore(%arg12 : memref<!tpu.dma_semaphore, #tpu.memory_space<semaphore_mem>>) src(%dma_wait3A_102 : memref<10000x16xf32, #tpu.memory_space<hbm>>) dst(%arg9 : memref<80x16xf32, #tpu.memory_space<vmem>>)
      %add3A_103 = arith.constant 1 : i32
      %add3A_104 = arith.addi %mul3A_82, %add3A_103 : i32
      %dma_start3A_105 = arith.constant 0 : i32
      %dma_start3A_106 = tpu.memref_slice %arg7[%add3A_104, %dma_start3A_105] : memref<125x80xi32, #tpu.memory_space<vmem>> -> memref<1x80xi32, #tpu.memory_space<vmem>>
      %dma_start3A_107 = tpu.memref_squeeze %dma_start3A_106 : memref<1x80xi32, #tpu.memory_space<vmem>> -> memref<80xi32, #tpu.memory_space<vmem>>
      %dma_start3A_108 = arith.constant 0 : i32
      %dma_start3A_109 = arith.constant 0 : i32
      %dma_start3A_110 = tpu.memref_slice %arg10[%dma_start3A_108, %dma_start3A_109] : memref<10240x16xf32, #tpu.memory_space<vmem_shared>> -> memref<10240x16xf32, #tpu.memory_space<vmem_shared>>
      tpu.enqueue_indirect_dma source(%arg9 : memref<80x16xf32, #tpu.memory_space<vmem>>) target(%dma_start3A_110 : memref<10240x16xf32, #tpu.memory_space<vmem_shared>>) offsets(%dma_start3A_107 : memref<80xi32, #tpu.memory_space<vmem>>) semaphore(%arg14 : memref<!tpu.dma_semaphore, #tpu.memory_space<semaphore_mem>>) {add = true}
      %lt3A = arith.constant 61 : i32
      %lt3A_111 = arith.cmpi slt, %scan3A_80, %lt3A : i32
      %convert_element_type3A = arith.extui %lt3A_111 : i1 to i32
      %cond3A = arith.constant 0 : i32
      %cond3A_112 = arith.cmpi ne, %convert_element_type3A, %cond3A : i32
      scf.if %cond3A_112 {
        %dma_wait3A_113 = arith.constant 0 : i32
        %dma_wait3A_114 = tpu.memref_slice %arg7[%mul3A_82, %dma_wait3A_113] : memref<125x80xi32, #tpu.memory_space<vmem>> -> memref<1x80xi32, #tpu.memory_space<vmem>>
        %dma_wait3A_115 = tpu.memref_squeeze %dma_wait3A_114 : memref<1x80xi32, #tpu.memory_space<vmem>> -> memref<80xi32, #tpu.memory_space<vmem>>
        %dma_wait3A_116 = arith.constant 0 : i32
        %dma_wait3A_117 = arith.constant 0 : i32
        %dma_wait3A_118 = tpu.memref_slice %arg10[%dma_wait3A_116, %dma_wait3A_117] : memref<10240x16xf32, #tpu.memory_space<vmem_shared>> -> memref<10240x16xf32, #tpu.memory_space<vmem_shared>>
        tpu.wait_indirect_dma semaphore(%arg13 : memref<!tpu.dma_semaphore, #tpu.memory_space<semaphore_mem>>) src(%arg8 : memref<80x16xf32, #tpu.memory_space<vmem>>) dst(%dma_wait3A_118 : memref<10240x16xf32, #tpu.memory_space<vmem_shared>>)
        %add3A_119 = arith.constant 2 : i32
        %add3A_120 = arith.addi %mul3A_82, %add3A_119 : i32
        %dma_start3A_121 = arith.constant 0 : i32
        %dma_start3A_122 = tpu.memref_slice %arg6[%add3A_120, %dma_start3A_121] : memref<125x80xi32, #tpu.memory_space<vmem>> -> memref<1x80xi32, #tpu.memory_space<vmem>>
        %dma_start3A_123 = tpu.memref_squeeze %dma_start3A_122 : memref<1x80xi32, #tpu.memory_space<vmem>> -> memref<80xi32, #tpu.memory_space<vmem>>
        %dma_start3A_124 = arith.constant 0 : i32
        %dma_start3A_125 = arith.constant 0 : i32
        %dma_start3A_126 = tpu.memref_slice %arg2[%dma_start3A_124, %dma_start3A_125] : memref<10000x16xf32, #tpu.memory_space<hbm>> -> memref<10000x16xf32, #tpu.memory_space<hbm>>
        tpu.enqueue_indirect_dma source(%dma_start3A_126 : memref<10000x16xf32, #tpu.memory_space<hbm>>) target(%arg8 : memref<80x16xf32, #tpu.memory_space<vmem>>) offsets(%dma_start3A_123 : memref<80xi32, #tpu.memory_space<vmem>>) semaphore(%arg11 : memref<!tpu.dma_semaphore, #tpu.memory_space<semaphore_mem>>)
        %add3A_127 = arith.constant 1 : i32
        %add3A_128 = arith.addi %mul3A_82, %add3A_127 : i32
        %dma_wait3A_129 = arith.constant 0 : i32
        %dma_wait3A_130 = tpu.memref_slice %arg7[%add3A_128, %dma_wait3A_129] : memref<125x80xi32, #tpu.memory_space<vmem>> -> memref<1x80xi32, #tpu.memory_space<vmem>>
        %dma_wait3A_131 = tpu.memref_squeeze %dma_wait3A_130 : memref<1x80xi32, #tpu.memory_space<vmem>> -> memref<80xi32, #tpu.memory_space<vmem>>
        %dma_wait3A_132 = arith.constant 0 : i32
        %dma_wait3A_133 = arith.constant 0 : i32
        %dma_wait3A_134 = tpu.memref_slice %arg10[%dma_wait3A_132, %dma_wait3A_133] : memref<10240x16xf32, #tpu.memory_space<vmem_shared>> -> memref<10240x16xf32, #tpu.memory_space<vmem_shared>>
        tpu.wait_indirect_dma semaphore(%arg14 : memref<!tpu.dma_semaphore, #tpu.memory_space<semaphore_mem>>) src(%arg9 : memref<80x16xf32, #tpu.memory_space<vmem>>) dst(%dma_wait3A_134 : memref<10240x16xf32, #tpu.memory_space<vmem_shared>>)
        %add3A_135 = arith.constant 3 : i32
        %add3A_136 = arith.addi %mul3A_82, %add3A_135 : i32
        %dma_start3A_137 = arith.constant 0 : i32
        %dma_start3A_138 = tpu.memref_slice %arg6[%add3A_136, %dma_start3A_137] : memref<125x80xi32, #tpu.memory_space<vmem>> -> memref<1x80xi32, #tpu.memory_space<vmem>>
        %dma_start3A_139 = tpu.memref_squeeze %dma_start3A_138 : memref<1x80xi32, #tpu.memory_space<vmem>> -> memref<80xi32, #tpu.memory_space<vmem>>
        %dma_start3A_140 = arith.constant 0 : i32
        %dma_start3A_141 = arith.constant 0 : i32
        %dma_start3A_142 = tpu.memref_slice %arg2[%dma_start3A_140, %dma_start3A_141] : memref<10000x16xf32, #tpu.memory_space<hbm>> -> memref<10000x16xf32, #tpu.memory_space<hbm>>
        tpu.enqueue_indirect_dma source(%dma_start3A_142 : memref<10000x16xf32, #tpu.memory_space<hbm>>) target(%arg9 : memref<80x16xf32, #tpu.memory_space<vmem>>) offsets(%dma_start3A_139 : memref<80xi32, #tpu.memory_space<vmem>>) semaphore(%arg12 : memref<!tpu.dma_semaphore, #tpu.memory_space<semaphore_mem>>)
      } else {
      }
    }
    %scan3A_31 = arith.constant 62 : i32
    %dma_wait3A = arith.constant 122 : i32
    %dma_wait3A_32 = arith.constant 0 : i32
    %dma_wait3A_33 = tpu.memref_slice %arg7[%dma_wait3A, %dma_wait3A_32] : memref<125x80xi32, #tpu.memory_space<vmem>> -> memref<1x80xi32, #tpu.memory_space<vmem>>
    %dma_wait3A_34 = tpu.memref_squeeze %dma_wait3A_33 : memref<1x80xi32, #tpu.memory_space<vmem>> -> memref<80xi32, #tpu.memory_space<vmem>>
    %dma_wait3A_35 = arith.constant 0 : i32
    %dma_wait3A_36 = arith.constant 0 : i32
    %dma_wait3A_37 = tpu.memref_slice %arg10[%dma_wait3A_35, %dma_wait3A_36] : memref<10240x16xf32, #tpu.memory_space<vmem_shared>> -> memref<10240x16xf32, #tpu.memory_space<vmem_shared>>
    tpu.wait_indirect_dma semaphore(%arg13 : memref<!tpu.dma_semaphore, #tpu.memory_space<semaphore_mem>>) src(%arg8 : memref<80x16xf32, #tpu.memory_space<vmem>>) dst(%dma_wait3A_37 : memref<10240x16xf32, #tpu.memory_space<vmem_shared>>)
    %dma_start3A_38 = arith.constant 124 : i32
    %dma_start3A_39 = arith.constant 0 : i32
    %dma_start3A_40 = tpu.memref_slice %arg6[%dma_start3A_38, %dma_start3A_39] : memref<125x80xi32, #tpu.memory_space<vmem>> -> memref<1x80xi32, #tpu.memory_space<vmem>>
    %dma_start3A_41 = tpu.memref_squeeze %dma_start3A_40 : memref<1x80xi32, #tpu.memory_space<vmem>> -> memref<80xi32, #tpu.memory_space<vmem>>
    %dma_start3A_42 = arith.constant 0 : i32
    %dma_start3A_43 = arith.constant 0 : i32
    %dma_start3A_44 = tpu.memref_slice %arg2[%dma_start3A_42, %dma_start3A_43] : memref<10000x16xf32, #tpu.memory_space<hbm>> -> memref<10000x16xf32, #tpu.memory_space<hbm>>
    tpu.enqueue_indirect_dma source(%dma_start3A_44 : memref<10000x16xf32, #tpu.memory_space<hbm>>) target(%arg8 : memref<80x16xf32, #tpu.memory_space<vmem>>) offsets(%dma_start3A_41 : memref<80xi32, #tpu.memory_space<vmem>>) semaphore(%arg11 : memref<!tpu.dma_semaphore, #tpu.memory_space<semaphore_mem>>)
    %dma_wait3A_45 = arith.constant 124 : i32
    %dma_wait3A_46 = arith.constant 0 : i32
    %dma_wait3A_47 = tpu.memref_slice %arg6[%dma_wait3A_45, %dma_wait3A_46] : memref<125x80xi32, #tpu.memory_space<vmem>> -> memref<1x80xi32, #tpu.memory_space<vmem>>
    %dma_wait3A_48 = tpu.memref_squeeze %dma_wait3A_47 : memref<1x80xi32, #tpu.memory_space<vmem>> -> memref<80xi32, #tpu.memory_space<vmem>>
    %dma_wait3A_49 = arith.constant 0 : i32
    %dma_wait3A_50 = arith.constant 0 : i32
    %dma_wait3A_51 = tpu.memref_slice %arg2[%dma_wait3A_49, %dma_wait3A_50] : memref<10000x16xf32, #tpu.memory_space<hbm>> -> memref<10000x16xf32, #tpu.memory_space<hbm>>
    tpu.wait_indirect_dma semaphore(%arg11 : memref<!tpu.dma_semaphore, #tpu.memory_space<semaphore_mem>>) src(%dma_wait3A_51 : memref<10000x16xf32, #tpu.memory_space<hbm>>) dst(%arg8 : memref<80x16xf32, #tpu.memory_space<vmem>>)
    %dma_start3A_52 = arith.constant 124 : i32
    %dma_start3A_53 = arith.constant 0 : i32
    %dma_start3A_54 = tpu.memref_slice %arg7[%dma_start3A_52, %dma_start3A_53] : memref<125x80xi32, #tpu.memory_space<vmem>> -> memref<1x80xi32, #tpu.memory_space<vmem>>
    %dma_start3A_55 = tpu.memref_squeeze %dma_start3A_54 : memref<1x80xi32, #tpu.memory_space<vmem>> -> memref<80xi32, #tpu.memory_space<vmem>>
    %dma_start3A_56 = arith.constant 0 : i32
    %dma_start3A_57 = arith.constant 0 : i32
    %dma_start3A_58 = tpu.memref_slice %arg10[%dma_start3A_56, %dma_start3A_57] : memref<10240x16xf32, #tpu.memory_space<vmem_shared>> -> memref<10240x16xf32, #tpu.memory_space<vmem_shared>>
    tpu.enqueue_indirect_dma source(%arg8 : memref<80x16xf32, #tpu.memory_space<vmem>>) target(%dma_start3A_58 : memref<10240x16xf32, #tpu.memory_space<vmem_shared>>) offsets(%dma_start3A_55 : memref<80xi32, #tpu.memory_space<vmem>>) semaphore(%arg13 : memref<!tpu.dma_semaphore, #tpu.memory_space<semaphore_mem>>) {add = true}
    %dma_wait3A_59 = arith.constant 123 : i32
    %dma_wait3A_60 = arith.constant 0 : i32
    %dma_wait3A_61 = tpu.memref_slice %arg7[%dma_wait3A_59, %dma_wait3A_60] : memref<125x80xi32, #tpu.memory_space<vmem>> -> memref<1x80xi32, #tpu.memory_space<vmem>>
    %dma_wait3A_62 = tpu.memref_squeeze %dma_wait3A_61 : memref<1x80xi32, #tpu.memory_space<vmem>> -> memref<80xi32, #tpu.memory_space<vmem>>
    %dma_wait3A_63 = arith.constant 0 : i32
    %dma_wait3A_64 = arith.constant 0 : i32
    %dma_wait3A_65 = tpu.memref_slice %arg10[%dma_wait3A_63, %dma_wait3A_64] : memref<10240x16xf32, #tpu.memory_space<vmem_shared>> -> memref<10240x16xf32, #tpu.memory_space<vmem_shared>>
    tpu.wait_indirect_dma semaphore(%arg14 : memref<!tpu.dma_semaphore, #tpu.memory_space<semaphore_mem>>) src(%arg9 : memref<80x16xf32, #tpu.memory_space<vmem>>) dst(%dma_wait3A_65 : memref<10240x16xf32, #tpu.memory_space<vmem_shared>>)
    %dma_wait3A_66 = arith.constant 124 : i32
    %dma_wait3A_67 = arith.constant 0 : i32
    %dma_wait3A_68 = tpu.memref_slice %arg7[%dma_wait3A_66, %dma_wait3A_67] : memref<125x80xi32, #tpu.memory_space<vmem>> -> memref<1x80xi32, #tpu.memory_space<vmem>>
    %dma_wait3A_69 = tpu.memref_squeeze %dma_wait3A_68 : memref<1x80xi32, #tpu.memory_space<vmem>> -> memref<80xi32, #tpu.memory_space<vmem>>
    %dma_wait3A_70 = arith.constant 0 : i32
    %dma_wait3A_71 = arith.constant 0 : i32
    %dma_wait3A_72 = tpu.memref_slice %arg10[%dma_wait3A_70, %dma_wait3A_71] : memref<10240x16xf32, #tpu.memory_space<vmem_shared>> -> memref<10240x16xf32, #tpu.memory_space<vmem_shared>>
    tpu.wait_indirect_dma semaphore(%arg13 : memref<!tpu.dma_semaphore, #tpu.memory_space<semaphore_mem>>) src(%arg8 : memref<80x16xf32, #tpu.memory_space<vmem>>) dst(%dma_wait3A_72 : memref<10240x16xf32, #tpu.memory_space<vmem_shared>>)
    %barrier3A_73 = arith.constant 0 : index
    tpu.barrier barrier_id(%barrier3A_73)
    %scan3A_74 = arith.constant 0 : i32
    %scan3A_75 = arith.constant 0 : i32
    %scan3A_76 = arith.constant 8 : i32
    %scan3A_77 = arith.addi %scan3A_75, %scan3A_76 : i32
    %scan3A_78 = arith.constant 1 : i32
    scf.for %scan3A_80 = %scan3A_75 to %scan3A_77 step %scan3A_78  : i32 {
      %mul3A_81 = arith.constant 640 : i32
      %mul3A_82 = arith.muli %arg1, %mul3A_81 : i32
      %mul3A_83 = arith.constant 80 : i32
      %mul3A_84 = arith.muli %scan3A_80, %mul3A_83 : i32
      %add3A_85 = arith.addi %mul3A_82, %mul3A_84 : i32
      "tpu.region"() ({
        %run_scoped3A = tpu.sem_alloc : memref<!tpu.dma_semaphore, #tpu.memory_space<semaphore_mem>>
        %dma_start3A_86 = arith.constant 0 : i32
        %dma_start3A_87 = tpu.memref_slice %arg5[%arg0, %add3A_85, %dma_start3A_86] : memref<2x10240x16xf32, #tpu.memory_space<hbm>> -> memref<1x80x16xf32, #tpu.memory_space<hbm>>
        %dma_start3A_88 = tpu.memref_squeeze %dma_start3A_87 : memref<1x80x16xf32, #tpu.memory_space<hbm>> -> memref<80x16xf32, #tpu.memory_space<hbm>>
        %dma_start3A_89 = arith.constant 0 : i32
        %dma_start3A_90 = tpu.memref_slice %arg10[%add3A_85, %dma_start3A_89] : memref<10240x16xf32, #tpu.memory_space<vmem_shared>> -> memref<80x16xf32, #tpu.memory_space<vmem_shared>>
        tpu.enqueue_dma source(%dma_start3A_90 : memref<80x16xf32, #tpu.memory_space<vmem_shared>>) target(%dma_start3A_88 : memref<80x16xf32, #tpu.memory_space<hbm>>) target_semaphore(%run_scoped3A : memref<!tpu.dma_semaphore, #tpu.memory_space<semaphore_mem>>)
        %dma_wait3A_91 = arith.constant 0 : i32
        %dma_wait3A_92 = tpu.memref_slice %arg5[%arg0, %add3A_85, %dma_wait3A_91] : memref<2x10240x16xf32, #tpu.memory_space<hbm>> -> memref<1x80x16xf32, #tpu.memory_space<hbm>>
        %dma_wait3A_93 = tpu.memref_squeeze %dma_wait3A_92 : memref<1x80x16xf32, #tpu.memory_space<hbm>> -> memref<80x16xf32, #tpu.memory_space<hbm>>
        %dma_wait3A_94 = arith.constant 0 : i32
        %dma_wait3A_95 = tpu.memref_slice %arg10[%add3A_85, %dma_wait3A_94] : memref<10240x16xf32, #tpu.memory_space<vmem_shared>> -> memref<80x16xf32, #tpu.memory_space<vmem_shared>>
        tpu.wait_dma2 semaphore(%run_scoped3A : memref<!tpu.dma_semaphore, #tpu.memory_space<semaphore_mem>>) src(%dma_wait3A_95 : memref<80x16xf32, #tpu.memory_space<vmem_shared>>) dst(%dma_wait3A_93 : memref<80x16xf32, #tpu.memory_space<hbm>>)
        tpu.yield
      }) : () -> ()
    }
    %scan3A_79 = arith.constant 8 : i32
    return
  }
}

#map = affine_map<(d0, d1) -> (0, 0)>
#map1 = affine_map<(d0, d1) -> (0, 0, 0)>
module attributes {stable_mosaic.version = 14 : i64} {
  func.func @body(%arg0: i32, %arg1: i32, %arg2: memref<10000x128xf32, #tpu.memory_space<hbm>>, %arg3: memref<32x125x80xi32, #tpu.memory_space<hbm>>, %arg4: memref<32x125x80xi32, #tpu.memory_space<hbm>>, %arg5: memref<2x10240x128xf32, #tpu.memory_space<hbm>>, %arg6: memref<125x80xi32, #tpu.memory_space<vmem>>, %arg7: memref<125x80xi32, #tpu.memory_space<vmem>>, %arg8: memref<80x128xf32, #tpu.memory_space<vmem>>, %arg9: memref<80x128xf32, #tpu.memory_space<vmem>>, %arg10: memref<10240x128xf32, #tpu.memory_space<vmem_shared>>, %arg11: memref<!tpu.dma_semaphore, #tpu.memory_space<semaphore_mem>>, %arg12: memref<!tpu.dma_semaphore, #tpu.memory_space<semaphore_mem>>, %arg13: memref<!tpu.dma_semaphore, #tpu.memory_space<semaphore_mem>>, %arg14: memref<!tpu.dma_semaphore, #tpu.memory_space<semaphore_mem>>) attributes {dimension_semantics = [#tpu.dimension_semantics<core_parallel>, #tpu.dimension_semantics<subcore_parallel>], iteration_bounds = array<i64: 2, 16>, scalar_prefetch = 0 : i64, scratch_operands = 9 : i64, tpu.core_type = #tpu.core_type<sc_vector_subcore>, window_params = [{transform_indices = #map}, {transform_indices = #map1}, {transform_indices = #map1}, {transform_indices = #map1}]} {
    %mul3A = arith.constant 16 : i32
    %mul3A_0 = arith.muli %arg0, %mul3A : i32
    %add3A = arith.addi %mul3A_0, %arg1 : i32
    %broadcast_in_dim3A = arith.constant 0.000000e+00 : f32
    %broadcast_in_dim3A_1 = vector.broadcast %broadcast_in_dim3A : f32 to vector<16xf32>
    %scan3A = arith.constant 0 : i32
    %scan3A_2 = arith.constant 0 : i32
    %scan3A_3 = arith.constant 80 : i32
    %scan3A_4 = arith.addi %scan3A_2, %scan3A_3 : i32
    %scan3A_5 = arith.constant 1 : i32
    scf.for %scan3A_80 = %scan3A_2 to %scan3A_4 step %scan3A_5  : i32 {
      %swap3A = arith.index_cast %scan3A_80 : i32 to index
      %swap3A_81 = arith.constant 0 : index
      %swap3A_82 = tpu.vector_load %arg8[%swap3A, %swap3A_81] {strides = array<i32>} : memref<80x128xf32, #tpu.memory_space<vmem>>, vector<1x16xf32>,
      %swap3A_83 = vector.shape_cast %swap3A_82 : vector<1x16xf32> to vector<16xf32>
      %swap3A_84 = vector.shape_cast %broadcast_in_dim3A_1 : vector<16xf32> to vector<1x16xf32>
      tpu.vector_store %arg8[%swap3A, %swap3A_81], %swap3A_84 {strides = array<i32>} : memref<80x128xf32, #tpu.memory_space<vmem>>, vector<1x16xf32>,
      %swap3A_85 = arith.index_cast %scan3A_80 : i32 to index
      %swap3A_86 = arith.constant 16 : index
      %swap3A_87 = tpu.vector_load %arg8[%swap3A_85, %swap3A_86] {strides = array<i32>} : memref<80x128xf32, #tpu.memory_space<vmem>>, vector<1x16xf32>,
      %swap3A_88 = vector.shape_cast %swap3A_87 : vector<1x16xf32> to vector<16xf32>
      %swap3A_89 = vector.shape_cast %broadcast_in_dim3A_1 : vector<16xf32> to vector<1x16xf32>
      tpu.vector_store %arg8[%swap3A_85, %swap3A_86], %swap3A_89 {strides = array<i32>} : memref<80x128xf32, #tpu.memory_space<vmem>>, vector<1x16xf32>,
      %swap3A_90 = arith.index_cast %scan3A_80 : i32 to index
      %swap3A_91 = arith.constant 32 : index
      %swap3A_92 = tpu.vector_load %arg8[%swap3A_90, %swap3A_91] {strides = array<i32>} : memref<80x128xf32, #tpu.memory_space<vmem>>, vector<1x16xf32>,
      %swap3A_93 = vector.shape_cast %swap3A_92 : vector<1x16xf32> to vector<16xf32>
      %swap3A_94 = vector.shape_cast %broadcast_in_dim3A_1 : vector<16xf32> to vector<1x16xf32>
      tpu.vector_store %arg8[%swap3A_90, %swap3A_91], %swap3A_94 {strides = array<i32>} : memref<80x128xf32, #tpu.memory_space<vmem>>, vector<1x16xf32>,
      %swap3A_95 = arith.index_cast %scan3A_80 : i32 to index
      %swap3A_96 = arith.constant 48 : index
      %swap3A_97 = tpu.vector_load %arg8[%swap3A_95, %swap3A_96] {strides = array<i32>} : memref<80x128xf32, #tpu.memory_space<vmem>>, vector<1x16xf32>,
      %swap3A_98 = vector.shape_cast %swap3A_97 : vector<1x16xf32> to vector<16xf32>
      %swap3A_99 = vector.shape_cast %broadcast_in_dim3A_1 : vector<16xf32> to vector<1x16xf32>
      tpu.vector_store %arg8[%swap3A_95, %swap3A_96], %swap3A_99 {strides = array<i32>} : memref<80x128xf32, #tpu.memory_space<vmem>>, vector<1x16xf32>,
      %swap3A_100 = arith.index_cast %scan3A_80 : i32 to index
      %swap3A_101 = arith.constant 64 : index
      %swap3A_102 = tpu.vector_load %arg8[%swap3A_100, %swap3A_101] {strides = array<i32>} : memref<80x128xf32, #tpu.memory_space<vmem>>, vector<1x16xf32>,
      %swap3A_103 = vector.shape_cast %swap3A_102 : vector<1x16xf32> to vector<16xf32>
      %swap3A_104 = vector.shape_cast %broadcast_in_dim3A_1 : vector<16xf32> to vector<1x16xf32>
      tpu.vector_store %arg8[%swap3A_100, %swap3A_101], %swap3A_104 {strides = array<i32>} : memref<80x128xf32, #tpu.memory_space<vmem>>, vector<1x16xf32>,
      %swap3A_105 = arith.index_cast %scan3A_80 : i32 to index
      %swap3A_106 = arith.constant 80 : index
      %swap3A_107 = tpu.vector_load %arg8[%swap3A_105, %swap3A_106] {strides = array<i32>} : memref<80x128xf32, #tpu.memory_space<vmem>>, vector<1x16xf32>,
      %swap3A_108 = vector.shape_cast %swap3A_107 : vector<1x16xf32> to vector<16xf32>
      %swap3A_109 = vector.shape_cast %broadcast_in_dim3A_1 : vector<16xf32> to vector<1x16xf32>
      tpu.vector_store %arg8[%swap3A_105, %swap3A_106], %swap3A_109 {strides = array<i32>} : memref<80x128xf32, #tpu.memory_space<vmem>>, vector<1x16xf32>,
      %swap3A_110 = arith.index_cast %scan3A_80 : i32 to index
      %swap3A_111 = arith.constant 96 : index
      %swap3A_112 = tpu.vector_load %arg8[%swap3A_110, %swap3A_111] {strides = array<i32>} : memref<80x128xf32, #tpu.memory_space<vmem>>, vector<1x16xf32>,
      %swap3A_113 = vector.shape_cast %swap3A_112 : vector<1x16xf32> to vector<16xf32>
      %swap3A_114 = vector.shape_cast %broadcast_in_dim3A_1 : vector<16xf32> to vector<1x16xf32>
      tpu.vector_store %arg8[%swap3A_110, %swap3A_111], %swap3A_114 {strides = array<i32>} : memref<80x128xf32, #tpu.memory_space<vmem>>, vector<1x16xf32>,
      %swap3A_115 = arith.index_cast %scan3A_80 : i32 to index
      %swap3A_116 = arith.constant 112 : index
      %swap3A_117 = tpu.vector_load %arg8[%swap3A_115, %swap3A_116] {strides = array<i32>} : memref<80x128xf32, #tpu.memory_space<vmem>>, vector<1x16xf32>,
      %swap3A_118 = vector.shape_cast %swap3A_117 : vector<1x16xf32> to vector<16xf32>
      %swap3A_119 = vector.shape_cast %broadcast_in_dim3A_1 : vector<16xf32> to vector<1x16xf32>
      tpu.vector_store %arg8[%swap3A_115, %swap3A_116], %swap3A_119 {strides = array<i32>} : memref<80x128xf32, #tpu.memory_space<vmem>>, vector<1x16xf32>,
    }
    %scan3A_6 = arith.constant 80 : i32
    %scan3A_7 = arith.constant 0 : i32
    %scan3A_8 = arith.constant 0 : i32
    %scan3A_9 = arith.constant 8 : i32
    %scan3A_10 = arith.addi %scan3A_8, %scan3A_9 : i32
    %scan3A_11 = arith.constant 1 : i32
    scf.for %scan3A_80 = %scan3A_8 to %scan3A_10 step %scan3A_11  : i32 {
      %mul3A_81 = arith.constant 640 : i32
      %mul3A_82 = arith.muli %arg1, %mul3A_81 : i32
      %mul3A_83 = arith.constant 80 : i32
      %mul3A_84 = arith.muli %scan3A_80, %mul3A_83 : i32
      %add3A_85 = arith.addi %mul3A_82, %mul3A_84 : i32
      "tpu.region"() ({
        %run_scoped3A = tpu.sem_alloc : memref<!tpu.dma_semaphore, #tpu.memory_space<semaphore_mem>>
        %dma_start3A_86 = arith.constant 0 : i32
        %dma_start3A_87 = tpu.memref_slice %arg10[%add3A_85, %dma_start3A_86] : memref<10240x128xf32, #tpu.memory_space<vmem_shared>> -> memref<80x128xf32, #tpu.memory_space<vmem_shared>>
        %dma_start3A_88 = arith.constant 0 : i32
        %dma_start3A_89 = tpu.memref_slice %arg10[%add3A_85, %dma_start3A_88] : memref<10240x128xf32, #tpu.memory_space<vmem_shared>> -> memref<80x128xf32, #tpu.memory_space<vmem_shared>>
        tpu.enqueue_dma source(%arg8 : memref<80x128xf32, #tpu.memory_space<vmem>>) target(%dma_start3A_89 : memref<80x128xf32, #tpu.memory_space<vmem_shared>>) target_semaphore(%run_scoped3A : memref<!tpu.dma_semaphore, #tpu.memory_space<semaphore_mem>>)
        %dma_wait3A_90 = arith.constant 0 : i32
        %dma_wait3A_91 = tpu.memref_slice %arg10[%add3A_85, %dma_wait3A_90] : memref<10240x128xf32, #tpu.memory_space<vmem_shared>> -> memref<80x128xf32, #tpu.memory_space<vmem_shared>>
        %dma_wait3A_92 = arith.constant 0 : i32
        %dma_wait3A_93 = tpu.memref_slice %arg10[%add3A_85, %dma_wait3A_92] : memref<10240x128xf32, #tpu.memory_space<vmem_shared>> -> memref<80x128xf32, #tpu.memory_space<vmem_shared>>
        tpu.wait_dma2 semaphore(%run_scoped3A : memref<!tpu.dma_semaphore, #tpu.memory_space<semaphore_mem>>) src(%arg8 : memref<80x128xf32, #tpu.memory_space<vmem>>) dst(%dma_wait3A_93 : memref<80x128xf32, #tpu.memory_space<vmem_shared>>)
        tpu.yield
      }) : () -> ()
    }
    %scan3A_12 = arith.constant 8 : i32
    "tpu.region"() ({
      %run_scoped3A = tpu.sem_alloc : memref<!tpu.dma_semaphore, #tpu.memory_space<semaphore_mem>>
      %dma_start3A_80 = arith.constant 0 : i32
      %dma_start3A_81 = arith.constant 0 : i32
      %dma_start3A_82 = tpu.memref_slice %arg4[%add3A, %dma_start3A_80, %dma_start3A_81] : memref<32x125x80xi32, #tpu.memory_space<hbm>> -> memref<1x125x80xi32, #tpu.memory_space<hbm>>
      %dma_start3A_83 = tpu.memref_squeeze %dma_start3A_82 : memref<1x125x80xi32, #tpu.memory_space<hbm>> -> memref<125x80xi32, #tpu.memory_space<hbm>>
      %dma_start3A_84 = arith.constant 0 : i32
      %dma_start3A_85 = arith.constant 0 : i32
      %dma_start3A_86 = tpu.memref_slice %arg4[%add3A, %dma_start3A_84, %dma_start3A_85] : memref<32x125x80xi32, #tpu.memory_space<hbm>> -> memref<1x125x80xi32, #tpu.memory_space<hbm>>
      %dma_start3A_87 = tpu.memref_squeeze %dma_start3A_86 : memref<1x125x80xi32, #tpu.memory_space<hbm>> -> memref<125x80xi32, #tpu.memory_space<hbm>>
      tpu.enqueue_dma source(%dma_start3A_87 : memref<125x80xi32, #tpu.memory_space<hbm>>) target(%arg7 : memref<125x80xi32, #tpu.memory_space<vmem>>) target_semaphore(%run_scoped3A : memref<!tpu.dma_semaphore, #tpu.memory_space<semaphore_mem>>)
      %dma_wait3A_88 = arith.constant 0 : i32
      %dma_wait3A_89 = arith.constant 0 : i32
      %dma_wait3A_90 = tpu.memref_slice %arg4[%add3A, %dma_wait3A_88, %dma_wait3A_89] : memref<32x125x80xi32, #tpu.memory_space<hbm>> -> memref<1x125x80xi32, #tpu.memory_space<hbm>>
      %dma_wait3A_91 = tpu.memref_squeeze %dma_wait3A_90 : memref<1x125x80xi32, #tpu.memory_space<hbm>> -> memref<125x80xi32, #tpu.memory_space<hbm>>
      %dma_wait3A_92 = arith.constant 0 : i32
      %dma_wait3A_93 = arith.constant 0 : i32
      %dma_wait3A_94 = tpu.memref_slice %arg4[%add3A, %dma_wait3A_92, %dma_wait3A_93] : memref<32x125x80xi32, #tpu.memory_space<hbm>> -> memref<1x125x80xi32, #tpu.memory_space<hbm>>
      %dma_wait3A_95 = tpu.memref_squeeze %dma_wait3A_94 : memref<1x125x80xi32, #tpu.memory_space<hbm>> -> memref<125x80xi32, #tpu.memory_space<hbm>>
      tpu.wait_dma2 semaphore(%run_scoped3A : memref<!tpu.dma_semaphore, #tpu.memory_space<semaphore_mem>>) src(%dma_wait3A_95 : memref<125x80xi32, #tpu.memory_space<hbm>>) dst(%arg7 : memref<125x80xi32, #tpu.memory_space<vmem>>)
      tpu.yield
    }) : () -> ()
    "tpu.region"() ({
      %run_scoped3A = tpu.sem_alloc : memref<!tpu.dma_semaphore, #tpu.memory_space<semaphore_mem>>
      %dma_start3A_80 = arith.constant 0 : i32
      %dma_start3A_81 = arith.constant 0 : i32
      %dma_start3A_82 = tpu.memref_slice %arg3[%add3A, %dma_start3A_80, %dma_start3A_81] : memref<32x125x80xi32, #tpu.memory_space<hbm>> -> memref<1x125x80xi32, #tpu.memory_space<hbm>>
      %dma_start3A_83 = tpu.memref_squeeze %dma_start3A_82 : memref<1x125x80xi32, #tpu.memory_space<hbm>> -> memref<125x80xi32, #tpu.memory_space<hbm>>
      %dma_start3A_84 = arith.constant 0 : i32
      %dma_start3A_85 = arith.constant 0 : i32
      %dma_start3A_86 = tpu.memref_slice %arg3[%add3A, %dma_start3A_84, %dma_start3A_85] : memref<32x125x80xi32, #tpu.memory_space<hbm>> -> memref<1x125x80xi32, #tpu.memory_space<hbm>>
      %dma_start3A_87 = tpu.memref_squeeze %dma_start3A_86 : memref<1x125x80xi32, #tpu.memory_space<hbm>> -> memref<125x80xi32, #tpu.memory_space<hbm>>
      tpu.enqueue_dma source(%dma_start3A_87 : memref<125x80xi32, #tpu.memory_space<hbm>>) target(%arg6 : memref<125x80xi32, #tpu.memory_space<vmem>>) target_semaphore(%run_scoped3A : memref<!tpu.dma_semaphore, #tpu.memory_space<semaphore_mem>>)
      %dma_wait3A_88 = arith.constant 0 : i32
      %dma_wait3A_89 = arith.constant 0 : i32
      %dma_wait3A_90 = tpu.memref_slice %arg3[%add3A, %dma_wait3A_88, %dma_wait3A_89] : memref<32x125x80xi32, #tpu.memory_space<hbm>> -> memref<1x125x80xi32, #tpu.memory_space<hbm>>
      %dma_wait3A_91 = tpu.memref_squeeze %dma_wait3A_90 : memref<1x125x80xi32, #tpu.memory_space<hbm>> -> memref<125x80xi32, #tpu.memory_space<hbm>>
      %dma_wait3A_92 = arith.constant 0 : i32
      %dma_wait3A_93 = arith.constant 0 : i32
      %dma_wait3A_94 = tpu.memref_slice %arg3[%add3A, %dma_wait3A_92, %dma_wait3A_93] : memref<32x125x80xi32, #tpu.memory_space<hbm>> -> memref<1x125x80xi32, #tpu.memory_space<hbm>>
      %dma_wait3A_95 = tpu.memref_squeeze %dma_wait3A_94 : memref<1x125x80xi32, #tpu.memory_space<hbm>> -> memref<125x80xi32, #tpu.memory_space<hbm>>
      tpu.wait_dma2 semaphore(%run_scoped3A : memref<!tpu.dma_semaphore, #tpu.memory_space<semaphore_mem>>) src(%dma_wait3A_95 : memref<125x80xi32, #tpu.memory_space<hbm>>) dst(%arg6 : memref<125x80xi32, #tpu.memory_space<vmem>>)
      tpu.yield
    }) : () -> ()
    %barrier3A = arith.constant 0 : index
    tpu.barrier barrier_id(%barrier3A)
    %dma_start3A = arith.constant 0 : i32
    %dma_start3A_13 = arith.constant 0 : i32
    %dma_start3A_14 = tpu.memref_slice %arg6[%dma_start3A, %dma_start3A_13] : memref<125x80xi32, #tpu.memory_space<vmem>> -> memref<1x80xi32, #tpu.memory_space<vmem>>
    %dma_start3A_15 = tpu.memref_squeeze %dma_start3A_14 : memref<1x80xi32, #tpu.memory_space<vmem>> -> memref<80xi32, #tpu.memory_space<vmem>>
    %dma_start3A_16 = arith.constant 0 : i32
    %dma_start3A_17 = arith.constant 0 : i32
    %dma_start3A_18 = tpu.memref_slice %arg2[%dma_start3A_16, %dma_start3A_17] : memref<10000x128xf32, #tpu.memory_space<hbm>> -> memref<10000x128xf32, #tpu.memory_space<hbm>>
    tpu.enqueue_indirect_dma source(%dma_start3A_18 : memref<10000x128xf32, #tpu.memory_space<hbm>>) target(%arg8 : memref<80x128xf32, #tpu.memory_space<vmem>>) offsets(%dma_start3A_15 : memref<80xi32, #tpu.memory_space<vmem>>) semaphore(%arg11 : memref<!tpu.dma_semaphore, #tpu.memory_space<semaphore_mem>>)
    %dma_start3A_19 = arith.constant 1 : i32
    %dma_start3A_20 = arith.constant 0 : i32
    %dma_start3A_21 = tpu.memref_slice %arg6[%dma_start3A_19, %dma_start3A_20] : memref<125x80xi32, #tpu.memory_space<vmem>> -> memref<1x80xi32, #tpu.memory_space<vmem>>
    %dma_start3A_22 = tpu.memref_squeeze %dma_start3A_21 : memref<1x80xi32, #tpu.memory_space<vmem>> -> memref<80xi32, #tpu.memory_space<vmem>>
    %dma_start3A_23 = arith.constant 0 : i32
    %dma_start3A_24 = arith.constant 0 : i32
    %dma_start3A_25 = tpu.memref_slice %arg2[%dma_start3A_23, %dma_start3A_24] : memref<10000x128xf32, #tpu.memory_space<hbm>> -> memref<10000x128xf32, #tpu.memory_space<hbm>>
    tpu.enqueue_indirect_dma source(%dma_start3A_25 : memref<10000x128xf32, #tpu.memory_space<hbm>>) target(%arg9 : memref<80x128xf32, #tpu.memory_space<vmem>>) offsets(%dma_start3A_22 : memref<80xi32, #tpu.memory_space<vmem>>) semaphore(%arg12 : memref<!tpu.dma_semaphore, #tpu.memory_space<semaphore_mem>>)
    %scan3A_26 = arith.constant 0 : i32
    %scan3A_27 = arith.constant 0 : i32
    %scan3A_28 = arith.constant 62 : i32
    %scan3A_29 = arith.addi %scan3A_27, %scan3A_28 : i32
    %scan3A_30 = arith.constant 1 : i32
    scf.for %scan3A_80 = %scan3A_27 to %scan3A_29 step %scan3A_30  : i32 {
      %mul3A_81 = arith.constant 2 : i32
      %mul3A_82 = arith.muli %mul3A_81, %scan3A_80 : i32
      %dma_wait3A_83 = arith.constant 0 : i32
      %dma_wait3A_84 = tpu.memref_slice %arg6[%mul3A_82, %dma_wait3A_83] : memref<125x80xi32, #tpu.memory_space<vmem>> -> memref<1x80xi32, #tpu.memory_space<vmem>>
      %dma_wait3A_85 = tpu.memref_squeeze %dma_wait3A_84 : memref<1x80xi32, #tpu.memory_space<vmem>> -> memref<80xi32, #tpu.memory_space<vmem>>
      %dma_wait3A_86 = arith.constant 0 : i32
      %dma_wait3A_87 = arith.constant 0 : i32
      %dma_wait3A_88 = tpu.memref_slice %arg2[%dma_wait3A_86, %dma_wait3A_87] : memref<10000x128xf32, #tpu.memory_space<hbm>> -> memref<10000x128xf32, #tpu.memory_space<hbm>>
      tpu.wait_indirect_dma semaphore(%arg11 : memref<!tpu.dma_semaphore, #tpu.memory_space<semaphore_mem>>) src(%dma_wait3A_88 : memref<10000x128xf32, #tpu.memory_space<hbm>>) dst(%arg8 : memref<80x128xf32, #tpu.memory_space<vmem>>)
      %dma_start3A_89 = arith.constant 0 : i32
      %dma_start3A_90 = tpu.memref_slice %arg7[%mul3A_82, %dma_start3A_89] : memref<125x80xi32, #tpu.memory_space<vmem>> -> memref<1x80xi32, #tpu.memory_space<vmem>>
      %dma_start3A_91 = tpu.memref_squeeze %dma_start3A_90 : memref<1x80xi32, #tpu.memory_space<vmem>> -> memref<80xi32, #tpu.memory_space<vmem>>
      %dma_start3A_92 = arith.constant 0 : i32
      %dma_start3A_93 = arith.constant 0 : i32
      %dma_start3A_94 = tpu.memref_slice %arg10[%dma_start3A_92, %dma_start3A_93] : memref<10240x128xf32, #tpu.memory_space<vmem_shared>> -> memref<10240x128xf32, #tpu.memory_space<vmem_shared>>
      tpu.enqueue_indirect_dma source(%arg8 : memref<80x128xf32, #tpu.memory_space<vmem>>) target(%dma_start3A_94 : memref<10240x128xf32, #tpu.memory_space<vmem_shared>>) offsets(%dma_start3A_91 : memref<80xi32, #tpu.memory_space<vmem>>) semaphore(%arg13 : memref<!tpu.dma_semaphore, #tpu.memory_space<semaphore_mem>>) {add = true}
      %add3A_95 = arith.constant 1 : i32
      %add3A_96 = arith.addi %mul3A_82, %add3A_95 : i32
      %dma_wait3A_97 = arith.constant 0 : i32
      %dma_wait3A_98 = tpu.memref_slice %arg6[%add3A_96, %dma_wait3A_97] : memref<125x80xi32, #tpu.memory_space<vmem>> -> memref<1x80xi32, #tpu.memory_space<vmem>>
      %dma_wait3A_99 = tpu.memref_squeeze %dma_wait3A_98 : memref<1x80xi32, #tpu.memory_space<vmem>> -> memref<80xi32, #tpu.memory_space<vmem>>
      %dma_wait3A_100 = arith.constant 0 : i32
      %dma_wait3A_101 = arith.constant 0 : i32
      %dma_wait3A_102 = tpu.memref_slice %arg2[%dma_wait3A_100, %dma_wait3A_101] : memref<10000x128xf32, #tpu.memory_space<hbm>> -> memref<10000x128xf32, #tpu.memory_space<hbm>>
      tpu.wait_indirect_dma semaphore(%arg12 : memref<!tpu.dma_semaphore, #tpu.memory_space<semaphore_mem>>) src(%dma_wait3A_102 : memref<10000x128xf32, #tpu.memory_space<hbm>>) dst(%arg9 : memref<80x128xf32, #tpu.memory_space<vmem>>)
      %add3A_103 = arith.constant 1 : i32
      %add3A_104 = arith.addi %mul3A_82, %add3A_103 : i32
      %dma_start3A_105 = arith.constant 0 : i32
      %dma_start3A_106 = tpu.memref_slice %arg7[%add3A_104, %dma_start3A_105] : memref<125x80xi32, #tpu.memory_space<vmem>> -> memref<1x80xi32, #tpu.memory_space<vmem>>
      %dma_start3A_107 = tpu.memref_squeeze %dma_start3A_106 : memref<1x80xi32, #tpu.memory_space<vmem>> -> memref<80xi32, #tpu.memory_space<vmem>>
      %dma_start3A_108 = arith.constant 0 : i32
      %dma_start3A_109 = arith.constant 0 : i32
      %dma_start3A_110 = tpu.memref_slice %arg10[%dma_start3A_108, %dma_start3A_109] : memref<10240x128xf32, #tpu.memory_space<vmem_shared>> -> memref<10240x128xf32, #tpu.memory_space<vmem_shared>>
      tpu.enqueue_indirect_dma source(%arg9 : memref<80x128xf32, #tpu.memory_space<vmem>>) target(%dma_start3A_110 : memref<10240x128xf32, #tpu.memory_space<vmem_shared>>) offsets(%dma_start3A_107 : memref<80xi32, #tpu.memory_space<vmem>>) semaphore(%arg14 : memref<!tpu.dma_semaphore, #tpu.memory_space<semaphore_mem>>) {add = true}
      %lt3A = arith.constant 61 : i32
      %lt3A_111 = arith.cmpi slt, %scan3A_80, %lt3A : i32
      %convert_element_type3A = arith.extui %lt3A_111 : i1 to i32
      %cond3A = arith.constant 0 : i32
      %cond3A_112 = arith.cmpi ne, %convert_element_type3A, %cond3A : i32
      scf.if %cond3A_112 {
        %dma_wait3A_113 = arith.constant 0 : i32
        %dma_wait3A_114 = tpu.memref_slice %arg7[%mul3A_82, %dma_wait3A_113] : memref<125x80xi32, #tpu.memory_space<vmem>> -> memref<1x80xi32, #tpu.memory_space<vmem>>
        %dma_wait3A_115 = tpu.memref_squeeze %dma_wait3A_114 : memref<1x80xi32, #tpu.memory_space<vmem>> -> memref<80xi32, #tpu.memory_space<vmem>>
        %dma_wait3A_116 = arith.constant 0 : i32
        %dma_wait3A_117 = arith.constant 0 : i32
        %dma_wait3A_118 = tpu.memref_slice %arg10[%dma_wait3A_116, %dma_wait3A_117] : memref<10240x128xf32, #tpu.memory_space<vmem_shared>> -> memref<10240x128xf32, #tpu.memory_space<vmem_shared>>
        tpu.wait_indirect_dma semaphore(%arg13 : memref<!tpu.dma_semaphore, #tpu.memory_space<semaphore_mem>>) src(%arg8 : memref<80x128xf32, #tpu.memory_space<vmem>>) dst(%dma_wait3A_118 : memref<10240x128xf32, #tpu.memory_space<vmem_shared>>)
        %add3A_119 = arith.constant 2 : i32
        %add3A_120 = arith.addi %mul3A_82, %add3A_119 : i32
        %dma_start3A_121 = arith.constant 0 : i32
        %dma_start3A_122 = tpu.memref_slice %arg6[%add3A_120, %dma_start3A_121] : memref<125x80xi32, #tpu.memory_space<vmem>> -> memref<1x80xi32, #tpu.memory_space<vmem>>
        %dma_start3A_123 = tpu.memref_squeeze %dma_start3A_122 : memref<1x80xi32, #tpu.memory_space<vmem>> -> memref<80xi32, #tpu.memory_space<vmem>>
        %dma_start3A_124 = arith.constant 0 : i32
        %dma_start3A_125 = arith.constant 0 : i32
        %dma_start3A_126 = tpu.memref_slice %arg2[%dma_start3A_124, %dma_start3A_125] : memref<10000x128xf32, #tpu.memory_space<hbm>> -> memref<10000x128xf32, #tpu.memory_space<hbm>>
        tpu.enqueue_indirect_dma source(%dma_start3A_126 : memref<10000x128xf32, #tpu.memory_space<hbm>>) target(%arg8 : memref<80x128xf32, #tpu.memory_space<vmem>>) offsets(%dma_start3A_123 : memref<80xi32, #tpu.memory_space<vmem>>) semaphore(%arg11 : memref<!tpu.dma_semaphore, #tpu.memory_space<semaphore_mem>>)
        %add3A_127 = arith.constant 1 : i32
        %add3A_128 = arith.addi %mul3A_82, %add3A_127 : i32
        %dma_wait3A_129 = arith.constant 0 : i32
        %dma_wait3A_130 = tpu.memref_slice %arg7[%add3A_128, %dma_wait3A_129] : memref<125x80xi32, #tpu.memory_space<vmem>> -> memref<1x80xi32, #tpu.memory_space<vmem>>
        %dma_wait3A_131 = tpu.memref_squeeze %dma_wait3A_130 : memref<1x80xi32, #tpu.memory_space<vmem>> -> memref<80xi32, #tpu.memory_space<vmem>>
        %dma_wait3A_132 = arith.constant 0 : i32
        %dma_wait3A_133 = arith.constant 0 : i32
        %dma_wait3A_134 = tpu.memref_slice %arg10[%dma_wait3A_132, %dma_wait3A_133] : memref<10240x128xf32, #tpu.memory_space<vmem_shared>> -> memref<10240x128xf32, #tpu.memory_space<vmem_shared>>
        tpu.wait_indirect_dma semaphore(%arg14 : memref<!tpu.dma_semaphore, #tpu.memory_space<semaphore_mem>>) src(%arg9 : memref<80x128xf32, #tpu.memory_space<vmem>>) dst(%dma_wait3A_134 : memref<10240x128xf32, #tpu.memory_space<vmem_shared>>)
        %add3A_135 = arith.constant 3 : i32
        %add3A_136 = arith.addi %mul3A_82, %add3A_135 : i32
        %dma_start3A_137 = arith.constant 0 : i32
        %dma_start3A_138 = tpu.memref_slice %arg6[%add3A_136, %dma_start3A_137] : memref<125x80xi32, #tpu.memory_space<vmem>> -> memref<1x80xi32, #tpu.memory_space<vmem>>
        %dma_start3A_139 = tpu.memref_squeeze %dma_start3A_138 : memref<1x80xi32, #tpu.memory_space<vmem>> -> memref<80xi32, #tpu.memory_space<vmem>>
        %dma_start3A_140 = arith.constant 0 : i32
        %dma_start3A_141 = arith.constant 0 : i32
        %dma_start3A_142 = tpu.memref_slice %arg2[%dma_start3A_140, %dma_start3A_141] : memref<10000x128xf32, #tpu.memory_space<hbm>> -> memref<10000x128xf32, #tpu.memory_space<hbm>>
        tpu.enqueue_indirect_dma source(%dma_start3A_142 : memref<10000x128xf32, #tpu.memory_space<hbm>>) target(%arg9 : memref<80x128xf32, #tpu.memory_space<vmem>>) offsets(%dma_start3A_139 : memref<80xi32, #tpu.memory_space<vmem>>) semaphore(%arg12 : memref<!tpu.dma_semaphore, #tpu.memory_space<semaphore_mem>>)
      } else {
      }
    }
    %scan3A_31 = arith.constant 62 : i32
    %dma_wait3A = arith.constant 122 : i32
    %dma_wait3A_32 = arith.constant 0 : i32
    %dma_wait3A_33 = tpu.memref_slice %arg7[%dma_wait3A, %dma_wait3A_32] : memref<125x80xi32, #tpu.memory_space<vmem>> -> memref<1x80xi32, #tpu.memory_space<vmem>>
    %dma_wait3A_34 = tpu.memref_squeeze %dma_wait3A_33 : memref<1x80xi32, #tpu.memory_space<vmem>> -> memref<80xi32, #tpu.memory_space<vmem>>
    %dma_wait3A_35 = arith.constant 0 : i32
    %dma_wait3A_36 = arith.constant 0 : i32
    %dma_wait3A_37 = tpu.memref_slice %arg10[%dma_wait3A_35, %dma_wait3A_36] : memref<10240x128xf32, #tpu.memory_space<vmem_shared>> -> memref<10240x128xf32, #tpu.memory_space<vmem_shared>>
    tpu.wait_indirect_dma semaphore(%arg13 : memref<!tpu.dma_semaphore, #tpu.memory_space<semaphore_mem>>) src(%arg8 : memref<80x128xf32, #tpu.memory_space<vmem>>) dst(%dma_wait3A_37 : memref<10240x128xf32, #tpu.memory_space<vmem_shared>>)
    %dma_start3A_38 = arith.constant 124 : i32
    %dma_start3A_39 = arith.constant 0 : i32
    %dma_start3A_40 = tpu.memref_slice %arg6[%dma_start3A_38, %dma_start3A_39] : memref<125x80xi32, #tpu.memory_space<vmem>> -> memref<1x80xi32, #tpu.memory_space<vmem>>
    %dma_start3A_41 = tpu.memref_squeeze %dma_start3A_40 : memref<1x80xi32, #tpu.memory_space<vmem>> -> memref<80xi32, #tpu.memory_space<vmem>>
    %dma_start3A_42 = arith.constant 0 : i32
    %dma_start3A_43 = arith.constant 0 : i32
    %dma_start3A_44 = tpu.memref_slice %arg2[%dma_start3A_42, %dma_start3A_43] : memref<10000x128xf32, #tpu.memory_space<hbm>> -> memref<10000x128xf32, #tpu.memory_space<hbm>>
    tpu.enqueue_indirect_dma source(%dma_start3A_44 : memref<10000x128xf32, #tpu.memory_space<hbm>>) target(%arg8 : memref<80x128xf32, #tpu.memory_space<vmem>>) offsets(%dma_start3A_41 : memref<80xi32, #tpu.memory_space<vmem>>) semaphore(%arg11 : memref<!tpu.dma_semaphore, #tpu.memory_space<semaphore_mem>>)
    %dma_wait3A_45 = arith.constant 124 : i32
    %dma_wait3A_46 = arith.constant 0 : i32
    %dma_wait3A_47 = tpu.memref_slice %arg6[%dma_wait3A_45, %dma_wait3A_46] : memref<125x80xi32, #tpu.memory_space<vmem>> -> memref<1x80xi32, #tpu.memory_space<vmem>>
    %dma_wait3A_48 = tpu.memref_squeeze %dma_wait3A_47 : memref<1x80xi32, #tpu.memory_space<vmem>> -> memref<80xi32, #tpu.memory_space<vmem>>
    %dma_wait3A_49 = arith.constant 0 : i32
    %dma_wait3A_50 = arith.constant 0 : i32
    %dma_wait3A_51 = tpu.memref_slice %arg2[%dma_wait3A_49, %dma_wait3A_50] : memref<10000x128xf32, #tpu.memory_space<hbm>> -> memref<10000x128xf32, #tpu.memory_space<hbm>>
    tpu.wait_indirect_dma semaphore(%arg11 : memref<!tpu.dma_semaphore, #tpu.memory_space<semaphore_mem>>) src(%dma_wait3A_51 : memref<10000x128xf32, #tpu.memory_space<hbm>>) dst(%arg8 : memref<80x128xf32, #tpu.memory_space<vmem>>)
    %dma_start3A_52 = arith.constant 124 : i32
    %dma_start3A_53 = arith.constant 0 : i32
    %dma_start3A_54 = tpu.memref_slice %arg7[%dma_start3A_52, %dma_start3A_53] : memref<125x80xi32, #tpu.memory_space<vmem>> -> memref<1x80xi32, #tpu.memory_space<vmem>>
    %dma_start3A_55 = tpu.memref_squeeze %dma_start3A_54 : memref<1x80xi32, #tpu.memory_space<vmem>> -> memref<80xi32, #tpu.memory_space<vmem>>
    %dma_start3A_56 = arith.constant 0 : i32
    %dma_start3A_57 = arith.constant 0 : i32
    %dma_start3A_58 = tpu.memref_slice %arg10[%dma_start3A_56, %dma_start3A_57] : memref<10240x128xf32, #tpu.memory_space<vmem_shared>> -> memref<10240x128xf32, #tpu.memory_space<vmem_shared>>
    tpu.enqueue_indirect_dma source(%arg8 : memref<80x128xf32, #tpu.memory_space<vmem>>) target(%dma_start3A_58 : memref<10240x128xf32, #tpu.memory_space<vmem_shared>>) offsets(%dma_start3A_55 : memref<80xi32, #tpu.memory_space<vmem>>) semaphore(%arg13 : memref<!tpu.dma_semaphore, #tpu.memory_space<semaphore_mem>>) {add = true}
    %dma_wait3A_59 = arith.constant 123 : i32
    %dma_wait3A_60 = arith.constant 0 : i32
    %dma_wait3A_61 = tpu.memref_slice %arg7[%dma_wait3A_59, %dma_wait3A_60] : memref<125x80xi32, #tpu.memory_space<vmem>> -> memref<1x80xi32, #tpu.memory_space<vmem>>
    %dma_wait3A_62 = tpu.memref_squeeze %dma_wait3A_61 : memref<1x80xi32, #tpu.memory_space<vmem>> -> memref<80xi32, #tpu.memory_space<vmem>>
    %dma_wait3A_63 = arith.constant 0 : i32
    %dma_wait3A_64 = arith.constant 0 : i32
    %dma_wait3A_65 = tpu.memref_slice %arg10[%dma_wait3A_63, %dma_wait3A_64] : memref<10240x128xf32, #tpu.memory_space<vmem_shared>> -> memref<10240x128xf32, #tpu.memory_space<vmem_shared>>
    tpu.wait_indirect_dma semaphore(%arg14 : memref<!tpu.dma_semaphore, #tpu.memory_space<semaphore_mem>>) src(%arg9 : memref<80x128xf32, #tpu.memory_space<vmem>>) dst(%dma_wait3A_65 : memref<10240x128xf32, #tpu.memory_space<vmem_shared>>)
    %dma_wait3A_66 = arith.constant 124 : i32
    %dma_wait3A_67 = arith.constant 0 : i32
    %dma_wait3A_68 = tpu.memref_slice %arg7[%dma_wait3A_66, %dma_wait3A_67] : memref<125x80xi32, #tpu.memory_space<vmem>> -> memref<1x80xi32, #tpu.memory_space<vmem>>
    %dma_wait3A_69 = tpu.memref_squeeze %dma_wait3A_68 : memref<1x80xi32, #tpu.memory_space<vmem>> -> memref<80xi32, #tpu.memory_space<vmem>>
    %dma_wait3A_70 = arith.constant 0 : i32
    %dma_wait3A_71 = arith.constant 0 : i32
    %dma_wait3A_72 = tpu.memref_slice %arg10[%dma_wait3A_70, %dma_wait3A_71] : memref<10240x128xf32, #tpu.memory_space<vmem_shared>> -> memref<10240x128xf32, #tpu.memory_space<vmem_shared>>
    tpu.wait_indirect_dma semaphore(%arg13 : memref<!tpu.dma_semaphore, #tpu.memory_space<semaphore_mem>>) src(%arg8 : memref<80x128xf32, #tpu.memory_space<vmem>>) dst(%dma_wait3A_72 : memref<10240x128xf32, #tpu.memory_space<vmem_shared>>)
    %barrier3A_73 = arith.constant 0 : index
    tpu.barrier barrier_id(%barrier3A_73)
    %scan3A_74 = arith.constant 0 : i32
    %scan3A_75 = arith.constant 0 : i32
    %scan3A_76 = arith.constant 8 : i32
    %scan3A_77 = arith.addi %scan3A_75, %scan3A_76 : i32
    %scan3A_78 = arith.constant 1 : i32
    scf.for %scan3A_80 = %scan3A_75 to %scan3A_77 step %scan3A_78  : i32 {
      %mul3A_81 = arith.constant 640 : i32
      %mul3A_82 = arith.muli %arg1, %mul3A_81 : i32
      %mul3A_83 = arith.constant 80 : i32
      %mul3A_84 = arith.muli %scan3A_80, %mul3A_83 : i32
      %add3A_85 = arith.addi %mul3A_82, %mul3A_84 : i32
      "tpu.region"() ({
        %run_scoped3A = tpu.sem_alloc : memref<!tpu.dma_semaphore, #tpu.memory_space<semaphore_mem>>
        %dma_start3A_86 = arith.constant 0 : i32
        %dma_start3A_87 = tpu.memref_slice %arg5[%arg0, %add3A_85, %dma_start3A_86] : memref<2x10240x128xf32, #tpu.memory_space<hbm>> -> memref<1x80x128xf32, #tpu.memory_space<hbm>>
        %dma_start3A_88 = tpu.memref_squeeze %dma_start3A_87 : memref<1x80x128xf32, #tpu.memory_space<hbm>> -> memref<80x128xf32, #tpu.memory_space<hbm>>
        %dma_start3A_89 = arith.constant 0 : i32
        %dma_start3A_90 = tpu.memref_slice %arg10[%add3A_85, %dma_start3A_89] : memref<10240x128xf32, #tpu.memory_space<vmem_shared>> -> memref<80x128xf32, #tpu.memory_space<vmem_shared>>
        tpu.enqueue_dma source(%dma_start3A_90 : memref<80x128xf32, #tpu.memory_space<vmem_shared>>) target(%dma_start3A_88 : memref<80x128xf32, #tpu.memory_space<hbm>>) target_semaphore(%run_scoped3A : memref<!tpu.dma_semaphore, #tpu.memory_space<semaphore_mem>>)
        %dma_wait3A_91 = arith.constant 0 : i32
        %dma_wait3A_92 = tpu.memref_slice %arg5[%arg0, %add3A_85, %dma_wait3A_91] : memref<2x10240x128xf32, #tpu.memory_space<hbm>> -> memref<1x80x128xf32, #tpu.memory_space<hbm>>
        %dma_wait3A_93 = tpu.memref_squeeze %dma_wait3A_92 : memref<1x80x128xf32, #tpu.memory_space<hbm>> -> memref<80x128xf32, #tpu.memory_space<hbm>>
        %dma_wait3A_94 = arith.constant 0 : i32
        %dma_wait3A_95 = tpu.memref_slice %arg10[%add3A_85, %dma_wait3A_94] : memref<10240x128xf32, #tpu.memory_space<vmem_shared>> -> memref<80x128xf32, #tpu.memory_space<vmem_shared>>
        tpu.wait_dma2 semaphore(%run_scoped3A : memref<!tpu.dma_semaphore, #tpu.memory_space<semaphore_mem>>) src(%dma_wait3A_95 : memref<80x128xf32, #tpu.memory_space<vmem_shared>>) dst(%dma_wait3A_93 : memref<80x128xf32, #tpu.memory_space<hbm>>)
        tpu.yield
      }) : () -> ()
    }
    %scan3A_79 = arith.constant 8 : i32
    return
  }
}

module attributes {stable_mosaic.version = 14 : i64} {
  func.func @_tc1_body(%arg0: memref<10000x128xf32, #tpu.memory_space<vmem>>, %arg1: memref<128x128xf32, #tpu.memory_space<vmem>>, %arg2: memref<2x10240x16xf32, #tpu.memory_space<vmem>>, %arg3: memref<10000x128xf32, #tpu.memory_space<vmem>>) attributes {dimension_semantics = [], scalar_prefetch = 0 : i64, scratch_operands = 0 : i64, tpu.core_type = #tpu.core_type<tc>} {
    %get3A = arith.constant 0 : index
    %get3A_0 = arith.constant 0 : index
    %get3A_1 = arith.constant 0 : index
    %get3A_2 = vector.load %arg2[%get3A, %get3A_0, %get3A_1] : memref<2x10240x16xf32, #tpu.memory_space<vmem>>, vector<1x10000x1xf32>
    %get3A_3 = vector.shape_cast %get3A_2 : vector<1x10000x1xf32> to vector<10000x1xf32>
    %get3A_4 = arith.constant 1 : index
    %get3A_5 = arith.constant 0 : index
    %get3A_6 = arith.constant 0 : index
    %get3A_7 = vector.load %arg2[%get3A_4, %get3A_5, %get3A_6] : memref<2x10240x16xf32, #tpu.memory_space<vmem>>, vector<1x10000x1xf32>
    %get3A_8 = vector.shape_cast %get3A_7 : vector<1x10000x1xf32> to vector<10000x1xf32>
    %add3A = arith.addf %get3A_3, %get3A_8 : vector<10000x1xf32>
    %add3A_9 = arith.constant 1.000000e+00 : f32
    %add3A_10 = vector.broadcast %add3A_9 : f32 to vector<10000x1xf32>
    %add3A_11 = arith.addf %add3A, %add3A_10 : vector<10000x1xf32>
    %rsqrt3A = math.rsqrt %add3A_11 : vector<10000x1xf32>
    %get3A_12 = arith.constant 0 : index
    %get3A_13 = arith.constant 0 : index
    %get3A_14 = vector.load %arg0[%get3A_12, %get3A_13] : memref<10000x128xf32, #tpu.memory_space<vmem>>, vector<10000x128xf32>
    %get3A_15 = arith.constant 0 : index
    %get3A_16 = arith.constant 0 : index
    %get3A_17 = vector.load %arg1[%get3A_15, %get3A_16] : memref<128x128xf32, #tpu.memory_space<vmem>>, vector<128x128xf32>
    %dot_general3A = arith.constant dense<0.000000e+00> : vector<10000x128xf32>
    %dot_general3A_18 = tpu.matmul %get3A_14, %get3A_17, %dot_general3A {dimension_numbers = #tpu.dot_dimension_numbers<[1], [0], [0], [1], [0, 0, 1, 1], [], []>, transpose_lhs_hint = false} : vector<10000x128xf32>, vector<128x128xf32>, vector<10000x128xf32> -> vector<10000x128xf32>
    %mul3A = vector.broadcast %rsqrt3A : vector<10000x1xf32> to vector<10000x128xf32>
    %mul3A_19 = arith.mulf %dot_general3A_18, %mul3A : vector<10000x128xf32>
    %swap3A = arith.constant 0 : index
    %swap3A_20 = arith.constant 0 : index
    %swap3A_21 = vector.load %arg3[%swap3A, %swap3A_20] : memref<10000x128xf32, #tpu.memory_space<vmem>>, vector<10000x128xf32>
    tpu.vector_store %arg3[%swap3A, %swap3A_20], %mul3A_19 {strides = array<i32>} : memref<10000x128xf32, #tpu.memory_space<vmem>>, vector<10000x128xf32>,
    return
  }
}

module attributes {stable_mosaic.version = 14 : i64} {
  func.func @_tc2_body(%arg0: memref<2x10240x128xf32, #tpu.memory_space<vmem>>, %arg1: memref<10000x128xf32, #tpu.memory_space<vmem>>, %arg2: memref<2x10240x16xf32, #tpu.memory_space<vmem>>, %arg3: memref<128x16xf32, #tpu.memory_space<vmem>>, %arg4: memref<1x128xf32, #tpu.memory_space<vmem>>, %arg5: memref<10000x16xf32, #tpu.memory_space<vmem>>) attributes {dimension_semantics = [], scalar_prefetch = 0 : i64, scratch_operands = 0 : i64, tpu.core_type = #tpu.core_type<tc>} {
    %get3A = arith.constant 0 : index
    %get3A_0 = arith.constant 0 : index
    %get3A_1 = arith.constant 0 : index
    %get3A_2 = vector.load %arg2[%get3A, %get3A_0, %get3A_1] : memref<2x10240x16xf32, #tpu.memory_space<vmem>>, vector<1x10000x1xf32>
    %get3A_3 = vector.shape_cast %get3A_2 : vector<1x10000x1xf32> to vector<10000x1xf32>
    %get3A_4 = arith.constant 1 : index
    %get3A_5 = arith.constant 0 : index
    %get3A_6 = arith.constant 0 : index
    %get3A_7 = vector.load %arg2[%get3A_4, %get3A_5, %get3A_6] : memref<2x10240x16xf32, #tpu.memory_space<vmem>>, vector<1x10000x1xf32>
    %get3A_8 = vector.shape_cast %get3A_7 : vector<1x10000x1xf32> to vector<10000x1xf32>
    %add3A = arith.addf %get3A_3, %get3A_8 : vector<10000x1xf32>
    %add3A_9 = arith.constant 1.000000e+00 : f32
    %add3A_10 = vector.broadcast %add3A_9 : f32 to vector<10000x1xf32>
    %add3A_11 = arith.addf %add3A, %add3A_10 : vector<10000x1xf32>
    %rsqrt3A = math.rsqrt %add3A_11 : vector<10000x1xf32>
    %get3A_12 = arith.constant 0 : index
    %get3A_13 = arith.constant 0 : index
    %get3A_14 = arith.constant 0 : index
    %get3A_15 = vector.load %arg0[%get3A_12, %get3A_13, %get3A_14] : memref<2x10240x128xf32, #tpu.memory_space<vmem>>, vector<1x10000x128xf32>
    %get3A_16 = vector.shape_cast %get3A_15 : vector<1x10000x128xf32> to vector<10000x128xf32>
    %get3A_17 = arith.constant 1 : index
    %get3A_18 = arith.constant 0 : index
    %get3A_19 = arith.constant 0 : index
    %get3A_20 = vector.load %arg0[%get3A_17, %get3A_18, %get3A_19] : memref<2x10240x128xf32, #tpu.memory_space<vmem>>, vector<1x10000x128xf32>
    %get3A_21 = vector.shape_cast %get3A_20 : vector<1x10000x128xf32> to vector<10000x128xf32>
    %add3A_22 = arith.addf %get3A_16, %get3A_21 : vector<10000x128xf32>
    %get3A_23 = arith.constant 0 : index
    %get3A_24 = arith.constant 0 : index
    %get3A_25 = vector.load %arg1[%get3A_23, %get3A_24] : memref<10000x128xf32, #tpu.memory_space<vmem>>, vector<10000x128xf32>
    %add3A_26 = arith.addf %add3A_22, %get3A_25 : vector<10000x128xf32>
    %mul3A = vector.broadcast %rsqrt3A : vector<10000x1xf32> to vector<10000x128xf32>
    %mul3A_27 = arith.mulf %add3A_26, %mul3A : vector<10000x128xf32>
    %get3A_28 = arith.constant 0 : index
    %get3A_29 = arith.constant 0 : index
    %get3A_30 = vector.load %arg4[%get3A_28, %get3A_29] : memref<1x128xf32, #tpu.memory_space<vmem>>, vector<1x128xf32>
    %add3A_31 = vector.broadcast %get3A_30 : vector<1x128xf32> to vector<10000x128xf32>
    %add3A_32 = arith.addf %mul3A_27, %add3A_31 : vector<10000x128xf32>
    %max3A = arith.constant 0.000000e+00 : f32
    %max3A_33 = vector.broadcast %max3A : f32 to vector<10000x128xf32>
    %max3A_34 = arith.maximumf %add3A_32, %max3A_33 : vector<10000x128xf32>
    %get3A_35 = arith.constant 0 : index
    %get3A_36 = arith.constant 0 : index
    %get3A_37 = vector.load %arg3[%get3A_35, %get3A_36] : memref<128x16xf32, #tpu.memory_space<vmem>>, vector<128x16xf32>
    %dot_general3A = arith.constant dense<0.000000e+00> : vector<10000x16xf32>
    %dot_general3A_38 = tpu.matmul %max3A_34, %get3A_37, %dot_general3A {dimension_numbers = #tpu.dot_dimension_numbers<[1], [0], [0], [1], [0, 0, 1, 1], [], []>, transpose_lhs_hint = false} : vector<10000x128xf32>, vector<128x16xf32>, vector<10000x16xf32> -> vector<10000x16xf32>
    %mul3A_39 = vector.broadcast %rsqrt3A : vector<10000x1xf32> to vector<10000x16xf32>
    %mul3A_40 = arith.mulf %dot_general3A_38, %mul3A_39 : vector<10000x16xf32>
    %swap3A = arith.constant 0 : index
    %swap3A_41 = arith.constant 0 : index
    %swap3A_42 = vector.load %arg5[%swap3A, %swap3A_41] : memref<10000x16xf32, #tpu.memory_space<vmem>>, vector<10000x16xf32>
    tpu.vector_store %arg5[%swap3A, %swap3A_41], %mul3A_40 {strides = array<i32>} : memref<10000x16xf32, #tpu.memory_space<vmem>>, vector<10000x16xf32>,
    return
  }
}

module attributes {stable_mosaic.version = 14 : i64} {
  func.func @_tc3_body(%arg0: memref<2x10240x16xf32, #tpu.memory_space<vmem>>, %arg1: memref<10000x16xf32, #tpu.memory_space<vmem>>, %arg2: memref<2x10240x16xf32, #tpu.memory_space<vmem>>, %arg3: memref<1x16xf32, #tpu.memory_space<vmem>>, %arg4: memref<10000x16xf32, #tpu.memory_space<vmem>>) attributes {dimension_semantics = [], scalar_prefetch = 0 : i64, scratch_operands = 0 : i64, tpu.core_type = #tpu.core_type<tc>} {
    %get3A = arith.constant 0 : index
    %get3A_0 = arith.constant 0 : index
    %get3A_1 = arith.constant 0 : index
    %get3A_2 = vector.load %arg2[%get3A, %get3A_0, %get3A_1] : memref<2x10240x16xf32, #tpu.memory_space<vmem>>, vector<1x10000x1xf32>
    %get3A_3 = vector.shape_cast %get3A_2 : vector<1x10000x1xf32> to vector<10000x1xf32>
    %get3A_4 = arith.constant 1 : index
    %get3A_5 = arith.constant 0 : index
    %get3A_6 = arith.constant 0 : index
    %get3A_7 = vector.load %arg2[%get3A_4, %get3A_5, %get3A_6] : memref<2x10240x16xf32, #tpu.memory_space<vmem>>, vector<1x10000x1xf32>
    %get3A_8 = vector.shape_cast %get3A_7 : vector<1x10000x1xf32> to vector<10000x1xf32>
    %add3A = arith.addf %get3A_3, %get3A_8 : vector<10000x1xf32>
    %add3A_9 = arith.constant 1.000000e+00 : f32
    %add3A_10 = vector.broadcast %add3A_9 : f32 to vector<10000x1xf32>
    %add3A_11 = arith.addf %add3A, %add3A_10 : vector<10000x1xf32>
    %rsqrt3A = math.rsqrt %add3A_11 : vector<10000x1xf32>
    %get3A_12 = arith.constant 0 : index
    %get3A_13 = arith.constant 0 : index
    %get3A_14 = arith.constant 0 : index
    %get3A_15 = vector.load %arg0[%get3A_12, %get3A_13, %get3A_14] : memref<2x10240x16xf32, #tpu.memory_space<vmem>>, vector<1x10000x16xf32>
    %get3A_16 = vector.shape_cast %get3A_15 : vector<1x10000x16xf32> to vector<10000x16xf32>
    %get3A_17 = arith.constant 1 : index
    %get3A_18 = arith.constant 0 : index
    %get3A_19 = arith.constant 0 : index
    %get3A_20 = vector.load %arg0[%get3A_17, %get3A_18, %get3A_19] : memref<2x10240x16xf32, #tpu.memory_space<vmem>>, vector<1x10000x16xf32>
    %get3A_21 = vector.shape_cast %get3A_20 : vector<1x10000x16xf32> to vector<10000x16xf32>
    %add3A_22 = arith.addf %get3A_16, %get3A_21 : vector<10000x16xf32>
    %get3A_23 = arith.constant 0 : index
    %get3A_24 = arith.constant 0 : index
    %get3A_25 = vector.load %arg1[%get3A_23, %get3A_24] : memref<10000x16xf32, #tpu.memory_space<vmem>>, vector<10000x16xf32>
    %add3A_26 = arith.addf %add3A_22, %get3A_25 : vector<10000x16xf32>
    %mul3A = vector.broadcast %rsqrt3A : vector<10000x1xf32> to vector<10000x16xf32>
    %mul3A_27 = arith.mulf %add3A_26, %mul3A : vector<10000x16xf32>
    %get3A_28 = arith.constant 0 : index
    %get3A_29 = arith.constant 0 : index
    %get3A_30 = vector.load %arg3[%get3A_28, %get3A_29] : memref<1x16xf32, #tpu.memory_space<vmem>>, vector<1x16xf32>
    %add3A_31 = vector.broadcast %get3A_30 : vector<1x16xf32> to vector<10000x16xf32>
    %add3A_32 = arith.addf %mul3A_27, %add3A_31 : vector<10000x16xf32>
    %swap3A = arith.constant 0 : index
    %swap3A_33 = arith.constant 0 : index
    %swap3A_34 = vector.load %arg4[%swap3A, %swap3A_33] : memref<10000x16xf32, #tpu.memory_space<vmem>>, vector<10000x16xf32>
    tpu.vector_store %arg4[%swap3A, %swap3A_33], %add3A_32 {strides = array<i32>} : memref<10000x16xf32, #tpu.memory_space<vmem>>, vector<10000x16xf32>,
    return
  }
}

</mosaic_0001>

<sc_bundles>
// kernel: kernel.11.cloned.1.call-start
scs
__scs_entry_jumppad:
0x0: {  	(pc) =	sbr.rel $0x88, $3  }
0x1: {  	(tag) =	ssettag $0x0;
	lr =	simm.s32 $0x1  }
0x2: {  	[smem:$0x3F9B] =	sst lr;
	_ =	strace $0xD0000000  }
0x3: {  	_ = 	snop  }
0x4: {  	_ = 	snop  }
0x5: {  	_ = 	snop  }
0x6: {  	_ = 	snop  }
0x7: {  	_ = 	snop  }
__scs_overlays_trampoline_lowered:
0x8: {  	[smem:$0x3FAA] =	sst s0  }
0x9: {  	[smem:$0x3FAB] =	sst s1  }
0xa: {  	[smem:$0x3FAC] =	sst s2  }
0xb: {  	[smem:$0x3FAD] =	sst s3  }
0xc: {  	[smem:$0x3FAE] =	sst s4  }
0xd: {  	[smem:$0x3FAF] =	sst s5  }
0xe: {  	[smem:$0x3FB0] =	sst s6  }
0xf: {  	[smem:$0x3FB1] =	sst s7  }
0x10: {  	[smem:$0x3FB2] =	sst s8  }
0x11: {  	[smem:$0x3FB3] =	sst s9;
	s0 =	simm.s32 @!p0 $0x0  }
0x12: {  	s1 =	sld [smem:$0x3F99];
	s0 =	simm.s32 @p0 $0x1  }
0x13: {  	[smem:$0x3FB4] =	sst s0;
	s0 =	simm.s32 @!p1 $0x0  }
0x14: {  	s2 =	sld [smem:$0x3F98];
	s0 =	simm.s32 @p1 $0x1  }
0x15: {  	[smem:$0x3FB5] =	sst s0;
	s0 =	simm.s32 @!p2 $0x0  }
0x16: {  	s3 =	sld [smem:$0x3FDB];
	s0 =	simm.s32 @p2 $0x1  }
0x17: {  	s4 =	simm.s32 $0x1BF5;
	[smem:$0x3FB7] =	sst s0  }
0x18: {  	s0 =	sld [smem:$0x3F9A];
	_ =	swait.ge [sflag:s4], $0x0  }
0x19: {  	s7 =	sld [smem:$0x3F9B]  }
0x1a: {  	s8 =	sadd.s32 $0xFFFFE003, lr  }
0x1b: {  	s9 =	sadd.s32 $0xFFFFFEF7, lr;
	s5 =	simm.s32 $0xFFFFFFFF;
	p2 =	slt.u32 s8, $0xFFFFF086  }
0x1c: {  	p1 =	slt.u32 s9, $0xF7A;
	s5 =	simm.s32 @!p2 $0x0  }
0x1d: {  	s5 =	simm.s32 @p1 $0x1;
	p0 =	seq.s32 s7, s2  }
0x1e: {  	s7 =	smul.u32 @!p0 $0xF7A, s2;
	p2 =	seq.s32 @!p0 s5, $0x0  }
0x1f: {  	s9 =	smul.u32 $0xF7A, s1;
	s8 =	simm.s32 @!p0 $0x1BF5;
	p2 =	por !p2, p0  }
0x20: {  	[sflag:s8] =	ssyncset.s32 @!p0 $0xFFFFF086;
	s6 =	sadd.s32 @!p0 s3, s7;
	s7 =	simm.s32 @!p0 $0x108  }
0x21: {  	s3 =	sadd.s32 s3, s9;
	s6 =	sadd.s32 @!p0 $0x88, s6;
	s7 =	simm.s32 @p2 $0x1082  }
0x22: {  	[simem:s7], [sflag:s8] =	dma.local @!p0 [hbm:s6], $0xF7A  }
0x23: {  	s9 =	sor.u32 $0xD0000000, s2;
	s6 =	simm.s32 $0x108;
	_ =	swait.ge @!p0 [sflag:s8], $0x0  }
0x24: {  	s3 =	sadd.s32 $0x88, s3;
	s6 =	simm.s32 @!p1 $0x1082;
	[sflag:s4] =	ssyncset.s32 $0xFFFFF086  }
0x25: {  	[simem:s6], [sflag:s4] =	dma.local [hbm:s3], $0xF7A  }
0x26: {  	[smem:$0x3F9B] =	sst s1;
	(tag) =	ssettag s2;
	_ =	strace s9  }
0x27: {  	s1 =	sld [smem:$0x3FAB]  }
0x28: {  	s2 =	sld [smem:$0x3FAC]  }
0x29: {  	s4 =	sld [smem:$0x3FAE]  }
0x2a: {  	p0 =	seq.s32 s5, $0x0;
	s5 =	sld [smem:$0x3FAF]  }
0x2b: {  	s6 =	sld [smem:$0x3FB0]  }
0x2c: {  	s7 =	sld [smem:$0x3FB1]  }
0x2d: {  	s3 =	simm.s32 $0x108;
	s8 =	sld [smem:$0x3FB2]  }
0x2e: {  	s3 =	simm.s32 @!p0 $0x1082;
	s9 =	sld [smem:$0x3FB3]  }
0x2f: {  	lr =	sadd.s32 s0, s3;
	s0 =	sld [smem:$0x3FAA]  }
0x30: {  	s3 =	sld [smem:$0x3FAD]  }
0x31: {  	[smem:$0x3FB6] =	sst s10  }
0x32: {  	s10 =	sld [smem:$0x3FB4];
	_ =	sdelay $0x3  }
0x33: {  	p0 =	seq.s32 s10, $0x1;
	s10 =	sld [smem:$0x3FB6];
	_ =	sdelay $0x3  }
0x34: {  	[smem:$0x3FB6] =	sst s10  }
0x35: {  	s10 =	sld [smem:$0x3FB5];
	_ =	sdelay $0x3  }
0x36: {  	p1 =	seq.s32 s10, $0x1;
	s10 =	sld [smem:$0x3FB6];
	_ =	sdelay $0x3  }
0x37: {  	[smem:$0x3FB6] =	sst s10  }
0x38: {  	s10 =	sld [smem:$0x3FB7]  }
0x39: {  	_ = 	snop;
	(pc) =	sbr.ind lr, $3  }
0x3a: {  	_ = 	snop  }
0x3b: {  	_ = 	snop  }
0x3c: {  	p2 =	seq.s32 s10, $0x1;
	s10 =	sld [smem:$0x3FB6]  }
0x3d: {  	_ =	shalt  }
0x3e: {  	_ =	shalt  }
0x3f: {  	_ =	shalt  }
0x40: {  	_ =	shalt  }
0x41: {  	_ =	shalt  }
0x42: {  	_ =	shalt  }
0x43: {  	_ =	shalt  }
0x44: {  	_ =	shalt  }
0x45: {  	_ =	shalt  }
0x46: {  	_ =	shalt  }
0x47: {  	_ =	shalt  }
0x48: {  	_ =	shalt  }
0x49: {  	_ =	shalt  }
0x4a: {  	_ =	shalt  }
0x4b: {  	_ =	shalt  }
0x4c: {  	_ =	shalt  }
0x4d: {  	_ =	shalt  }
0x4e: {  	_ =	shalt  }
0x4f: {  	_ =	shalt  }
0x50: {  	_ =	shalt  }
0x51: {  	_ =	shalt  }
0x52: {  	_ =	shalt  }
0x53: {  	_ =	shalt  }
0x54: {  	_ =	shalt  }
0x55: {  	_ =	shalt  }
0x56: {  	_ =	shalt  }
0x57: {  	_ =	shalt  }
0x58: {  	_ =	shalt  }
0x59: {  	_ =	shalt  }
0x5a: {  	_ =	shalt  }
0x5b: {  	_ =	shalt  }
0x5c: {  	_ =	shalt  }
0x5d: {  	_ =	shalt  }
0x5e: {  	_ =	shalt  }
0x5f: {  	_ =	shalt  }
0x60: {  	_ =	shalt  }
0x61: {  	_ =	shalt  }
0x62: {  	_ =	shalt  }
0x63: {  	_ =	shalt  }
0x64: {  	_ =	shalt  }
0x65: {  	_ =	shalt  }
0x66: {  	_ =	shalt  }
0x67: {  	_ =	shalt  }
0x68: {  	_ =	shalt  }
0x69: {  	_ =	shalt  }
0x6a: {  	_ =	shalt  }
0x6b: {  	_ =	shalt  }
0x6c: {  	_ =	shalt  }
0x6d: {  	_ =	shalt  }
0x6e: {  	_ =	shalt  }
0x6f: {  	_ =	shalt  }
0x70: {  	_ =	shalt  }
0x71: {  	_ =	shalt  }
0x72: {  	_ =	shalt  }
0x73: {  	_ =	shalt  }
0x74: {  	_ =	shalt  }
0x75: {  	_ =	shalt  }
0x76: {  	_ =	shalt  }
0x77: {  	_ =	shalt  }
0x78: {  	_ =	shalt  }
0x79: {  	_ =	shalt  }
0x7a: {  	_ =	shalt  }
0x7b: {  	_ =	shalt  }
0x7c: {  	_ =	shalt  }
0x7d: {  	_ =	shalt  }
0x7e: {  	_ =	shalt  }
0x7f: {  	_ =	shalt  }
0x80: {  	_ =	shalt  }
0x81: {  	_ =	shalt  }
0x82: {  	_ =	shalt  }
0x83: {  	_ =	shalt  }
0x84: {  	_ =	shalt  }
0x85: {  	_ =	shalt  }
0x86: {  	_ =	shalt  }
0x87: {  	_ =	shalt  }
.Lfunc_end0:
.L_simem_size_0:
called_computation.1_lowered:
.L_overlay_start_0:
0x88: {  	s2 =	sld [smem:$0x3FD9]  }
0x89: {  	s3 =	sld [smem:$0x3FFE];
	_ =	sdelay $0x1  }
0x8a: {  	s1 =	srdreg.scid  }
0x8b: {  	s0 =	sand.u32 $0x1, s1  }
0x8c: {  	s16 =	sshll.u32 s0, $0xA;
	s2 =	sadd.s32 s3, s2  }
0x8d: {  	s2 =	sadd.s32 s2, s16  }
0x8e: {  	[smem:$0x3FC2] =	sst s2  }
0x8f: {  	_ = 	snop  }
0x90: {  	(tm) =	ssettm $0x1  }
0x91: {  	s17 =	sld [smem:$0x3FFB];
	_ =	sdelay $0x3  }
0x92: {  	_ =	strace s17  }
0x93: {  	s2 =	sld [smem:$0x3FFC];
	_ =	sdelay $0x3  }
0x94: {  	_ =	strace s2  }
0x95: {  	s2 =	sld [smem:$0x3FFD];
	_ =	sdelay $0x3  }
0x96: {  	_ =	strace s2  }
0x97: {  	_ =	strace $0x8FFFFFFF  }
0x98: {  	s18 =	sld [smem:$0x3FDB];
	_ =	sdelay $0x1  }
0x99: {  	s19 =	simm.s32 $_scs_section_size  }
0x9a: {  	s4 =	simm.s32 $_size__tile_overlayer_lowered;
	s5 =	simm.s32 $_tile_overlayer_lowered  }
0x9b: {  	s22 =	simm.s32 $0x1BFF;
	s21 =	sshll.u32 s5, $0x1;
	s2 =	sadd.s32 s19, s18  }
0x9c: {  	s6 =	simm.s32 $0x0;
	s20 =	sshll.u32 s4, $0x1;
	s4 =	sadd.s32 s21, s2  }
0x9d: {  	[timem:s6], [sflag:s22] =	dma.local [hbm:s4], s20  }
0x9e: {  	_ =	swait.ge [sflag:s22], s20  }
0x9f: {  	s3 =	ssub.s32 $0x0, s20;
	[sflag:s22] =	ssyncset.done $0x0  }
0xa0: {  	[sflag:s22] =	ssyncadd.s32 s3;
	_ =	sdelay $0x1  }
0xa1: {  	s23 =	simm.s32 $0x1B8B  }
0xa2: {  	_ =	swait.ge [sflag:s23], $0x1  }
0xa3: {  	[sflag:s23] =	ssyncset.done $0x0  }
0xa4: {  	s25 =	simm.s32 $0x1B8E;
	s24 =	sld [smem:$0x3FFE];
	[sflag:s23] =	ssyncadd.s32 $0xFFFFFFFF  }
0xa5: {  	s26 =	simm.s32 $execute0_lowered;
	[smem:$0x3FD2] =	sst s25  }
0xa6: {  	s4 =	sshll.u32 s26, $0x1;
	_ =	strace $0x80000049;
	[dreg:$0x1] =	wrdreg $0xFFFFFFFF  }
0xa7: {  	s28 =	simm.s32 $_size_execute0_lowered;
	s2 =	sadd.s32 s2, s4;
	[dreg:$0x0] =	wrdreg $0x0  }
0xa8: {  	s4 =	sshll.u32 s28, $0x1;
	[dreg:$0x2] =	wrdreg s2  }
0xa9: {  	[dreg:$0x3] =	wrdreg s4  }
0xaa: {  	[dreg:$0x4] =	wrdreg $0xC0  }
0xab: {  	_ =	task [dreg:s6], $0x5FFFF  }
0xac: {  	[dreg:$0x1] =	wrdreg $0xFFFFFFFF  }
0xad: {  	[dreg:$0x0] =	wrdreg $0x60  }
0xae: {  	[dreg:$0x2] =	wrdreg s24  }
0xaf: {  	[dreg:$0x3] =	wrdreg $0x9E200  }
0xb0: {  	[dreg:$0x4] =	wrdreg $0x9  }
0xb1: {  	_ =	task.clear_ibuf [dreg:s6], $0x5FFFF;
	_ =	strace $0x90000049  }
0xb2: {  	s29 =	simm.s32 $0x9;
	_ =	strace $0x8000004B  }
0xb3: {  	_ =	swait.ge [sflag:s29], $0x1  }
0xb4: {  	[sflag:s29] =	ssyncadd.s32 $0xFFFFFFFF  }
0xb5: {  	_ =	strace $0x9000004B  }
0xb6: {  	_ =	sfence  }
0xb7: {  	s30 =	sld [smem:$0x0];
	_ =	sdelay $0x2  }
0xb8: {  	s31 =	sshll.u32 s1, $0xD;
	s1 =	sshrl.u32 s1, $0x2  }
0xb9: {  	s3 =	sand.u32 $0x4000, s31;
	s1 =	sadd.s32 s1, s30  }
0xba: {  	s0 =	sor.u32 s3, s0;
	s1 =	sshll.u32 s1, $0x11  }
0xbb: {  	s0 =	sor.u32 s1, s0  }
0xbc: {  	s0 =	sadd.s32 $0x8F2B, s0  }
0xbd: {  	[sflag:s0] =	ssyncadd.remote.s32 $0x1  }
0xbe: {  	_ =	sfence.sel $0xFFFF  }
0xbf: {  	[dreg:$0x0] =	wrdreg $0xFFFFFFFF;
	(pc) =	sbr.abs _section_cstart, $3  }
0xc0: {  	[dreg:$0x1] =	wrdreg $0xFFFFFFFF  }
0xc1: {  	_ =	task.clear_ibuf [dreg:s6], $0x2FFFF;
	_ =	strace $0x9FFFFFFF  }
0xc2: {  	(tm) =	ssettm $0x7FFFFFFF  }
0xc3: {  	_ =	shalt  }
tec
execute0_lowered:
.L_overlay_start_1:
0x0: {  	(tag) =	ssettag $0x1  }
0x1: {  	s0 =	srdreg.scid;
	s1 =	rddreg [dreg:$0x0]  }
0x2: {  	s2 =	rddreg [dreg:$0x1];
	s8 =	stileid.u32  }
0x3: {  	s3 =	simm.s32 $0x0;
	s29 =	simm.s32 $0x50;
	s30 =	simm.s32 $0x7620  }
0x4: {  	s31 =	simm.s32 $0x1;
	s28 =	simm.s32 $0x4;
	s17 =	smul.u32 $0x14000, s8  }
0x5: {  	s0 =	sand.u32 $0x1, s0;
	[smem:$0x7FF] =	sst s3;
	s9 =	smul.u32 $0x50000, s8  }
0x6: {  	s4 =	sshll.u32 s0, $0x4;
	s6 =	smul.u32 $0x140000, s0;
	s0 =	ssub.s32 $0x2, s0  }
0x7: {  	_ =	strace $0x8000004A;
	s4 =	sor.u32 s8, s4;
	s7 =	sshrl.u32 s0, $0x1  }
0x8: {  	s26 =	sshrl.u32 s9, $0x2;
	s16 =	sadd.s32 $0x7800, s17;
	s18 =	sadd.s32 $0xA000, s17  }
0x9: {  	s19 =	sadd.s32 $0xC800, s17;
	s20 =	sadd.s32 $0xF000, s17;
	s21 =	sadd.s32 $0x11800, s17  }
0xa: {  	s5 =	smul.u32 $0x4E2, s4;
	s4 =	sadd.s32 $0x65800, s1;
	s0 =	ssub.s32 s0, s7  }
0xb: {  	s23 =	sadd.s32 s6, s17;
	s9 =	sadd.s32 s26, s2;
	s7 =	sadd.s32 $0x5000, s17  }
0xc: {  	s12 =	sadd.s32 s16, s2;
	s13 =	sadd.s32 s18, s2;
	s14 =	sadd.s32 s19, s2  }
0xd: {  	s15 =	sadd.s32 s20, s2;
	s22 =	sadd.s32 s6, s16;
	s16 =	sadd.s32 s21, s2  }
0xe: {  	s26 =	sadd.s32 s17, s2;
	s25 =	sshrl.u32 s23, $0x3;
	s5 =	sadd.s32 s5, s1  }
0xf: {  	s8 =	smax.u32 s0, $0x1;
	s11 =	sadd.s32 s7, s2;
	s24 =	sadd.s32 $0x1C00, s5  }
0x10: {  	s1 =	sadd.s32 $0x8CA00, s1;
	s5 =	sadd.s32 $0xBA00, s5;
	[dreg:$0x3] =	wrdreg s24  }
0x11: {  	s23 =	sadd.s32 s6, s18;
	[dreg:$0x4] =	wrdreg s5;
	s5 =	sadd.s32 s1, s25  }
0x12: {  	s24 =	sadd.s32 s6, s19;
	[dreg:$0x5] =	wrdreg s5;
	s5 =	sor.u32 $0x2800, s17  }
0x13: {  	s25 =	sadd.s32 s6, s20;
	s10 =	sadd.s32 s5, s2;
	s0 =	sadd.s32 s6, s5  }
0x14: {  	s5 =	sadd.s32 s6, s7;
	s6 =	sadd.s32 s6, s21;
	s21 =	sshrl.u32 s22, $0x3  }
0x15: {  	s22 =	sshrl.u32 s23, $0x3;
	s23 =	sshrl.u32 s24, $0x3;
	s24 =	sshrl.u32 s25, $0x3  }
0x16: {  	s0 =	sshrl.u32 s0, $0x3;
	s20 =	sshrl.u32 s5, $0x3;
	s19 =	sadd.s32 s1, s21  }
0x17: {  	s21 =	sadd.s32 s1, s23;
	s25 =	sshrl.u32 s6, $0x3;
	s17 =	sadd.s32 s1, s0  }
0x18: {  	s18 =	sadd.s32 s1, s20;
	s20 =	sadd.s32 s1, s22;
	s22 =	sadd.s32 s1, s24  }
0x19: {  	s23 =	sadd.s32 s1, s25;
	s24 =	simm.s32 $0x4E20;
	s25 =	sshrl.u32 s26, $0x3  }
0x1a: {  	v0 =	vimm.f32 $0.0e+00;
	s26 =	simm.s32 $0x5;
	s0 =	simm.s32 $0x2;
	s1 =	simm.s32 $0x3  }
.LBB2_1:
0x1b: {  	s5 =	simm.s32 $0x0;
	s6 =	simm.s32 $0x200  }
.LBB2_2:
0x1c: {  	p0 =	sne.s32 s6, $0x9E00;
	[tilespmem:s5+$0x4E90] =	vst v0  }
0x1d: {  	[tilespmem:s5+$0x4E20] =	vst v0  }
0x1e: {  	[tilespmem:s5+$0x4E30] =	vst v0  }
.Ltmp0:
0x1f: {  	[tilespmem:s5+$0x4E40] =	vst v0;
	(pc) =	sbr.rel @p0 .LBB2_2-.Ltmp0, $4  }
0x20: {  	[tilespmem:s5+$0x4E50] =	vst v0  }
0x21: {  	[tilespmem:s5+$0x4E60] =	vst v0  }
0x22: {  	[tilespmem:s5+$0x4E70] =	vst v0  }
0x23: {  	[tilespmem:s5+$0x4E80] =	vst v0;
	s5 =	sshra.s32 s6, $0x2;
	s6 =	sadd.s32 $0x200, s6  }
0x24: {  	[tilespmem:s5+$0x4E90] =	vst v0  }
0x25: {  	[tilespmem:s5+$0x4E20] =	vst v0  }
0x26: {  	[tilespmem:s5+$0x4E30] =	vst v0  }
0x27: {  	[tilespmem:s5+$0x4E40] =	vst v0  }
0x28: {  	[tilespmem:s5+$0x4E50] =	vst v0  }
0x29: {  	[tilespmem:s5+$0x4E60] =	vst v0  }
0x2a: {  	[tilespmem:s5+$0x4E70] =	vst v0  }
0x2b: {  	[tilespmem:s5+$0x4E80] =	vst v0  }
0x2c: {  	[spmem:s9] =	stream.linear.scatter [tilespmem:s24], [sflag:$0x5], $0x2800, $0x38;
	[tilespmem:$0x1DE20] =	vst v63  }
0x2d: {  	_ =	swait.ge [sflag:s26], $0x2800  }
0x2e: {  	[sflag:s26] =	ssyncset.done $0x0  }
0x2f: {  	[sflag:s26] =	ssyncadd.s32 $0xFFFFD800  }
0x30: {  	[spmem:s10] =	stream.linear.scatter [tilespmem:s24], [sflag:$0x5], $0x2800, $0x38;
	[tilespmem:$0x1DE20] =	vst v63  }
0x31: {  	_ =	swait.ge [sflag:s26], $0x2800  }
0x32: {  	[sflag:s26] =	ssyncset.done $0x0  }
0x33: {  	[sflag:s26] =	ssyncadd.s32 $0xFFFFD800  }
0x34: {  	[spmem:s11] =	stream.linear.scatter [tilespmem:s24], [sflag:$0x5], $0x2800, $0x38;
	[tilespmem:$0x1DE20] =	vst v63  }
0x35: {  	_ =	swait.ge [sflag:s26], $0x2800  }
0x36: {  	[sflag:s26] =	ssyncset.done $0x0  }
0x37: {  	[sflag:s26] =	ssyncadd.s32 $0xFFFFD800  }
0x38: {  	[spmem:s12] =	stream.linear.scatter [tilespmem:s24], [sflag:$0x5], $0x2800, $0x38;
	[tilespmem:$0x1DE20] =	vst v63  }
0x39: {  	_ =	swait.ge [sflag:s26], $0x2800  }
0x3a: {  	[sflag:s26] =	ssyncset.done $0x0  }
0x3b: {  	[sflag:s26] =	ssyncadd.s32 $0xFFFFD800  }
0x3c: {  	[spmem:s13] =	stream.linear.scatter [tilespmem:s24], [sflag:$0x5], $0x2800, $0x38;
	[tilespmem:$0x1DE20] =	vst v63  }
0x3d: {  	_ =	swait.ge [sflag:s26], $0x2800  }
0x3e: {  	[sflag:s26] =	ssyncset.done $0x0  }
0x3f: {  	[sflag:s26] =	ssyncadd.s32 $0xFFFFD800  }
0x40: {  	[spmem:s14] =	stream.linear.scatter [tilespmem:s24], [sflag:$0x5], $0x2800, $0x38;
	[tilespmem:$0x1DE20] =	vst v63  }
0x41: {  	_ =	swait.ge [sflag:s26], $0x2800  }
0x42: {  	[sflag:s26] =	ssyncset.done $0x0  }
0x43: {  	[sflag:s26] =	ssyncadd.s32 $0xFFFFD800  }
0x44: {  	[spmem:s15] =	stream.linear.scatter [tilespmem:s24], [sflag:$0x5], $0x2800, $0x38;
	[tilespmem:$0x1DE20] =	vst v63  }
0x45: {  	_ =	swait.ge [sflag:s26], $0x2800  }
0x46: {  	[sflag:s26] =	ssyncset.done $0x0  }
0x47: {  	[sflag:s26] =	ssyncadd.s32 $0xFFFFD800  }
0x48: {  	[spmem:s16] =	stream.linear.scatter [tilespmem:s24], [sflag:$0x5], $0x2800, $0x38;
	[tilespmem:$0x1DE20] =	vst v63  }
0x49: {  	_ =	swait.ge [sflag:s26], $0x2800  }
0x4a: {  	s5 =	simm.s32 $0x0;
	[sflag:s26] =	ssyncset.done $0x0  }
0x4b: {  	s7 =	simm.s32 $0x2710;
	s6 =	rddreg [dreg:$0x3];
	[sflag:s26] =	ssyncadd.s32 $0xFFFFD800  }
0x4c: {  	[tilespmem:s7], [sflag:$0x5] =	stream.linear.gather [hbm4b:s6+s5], $0x2710, $0x38;
	[tilespmem:$0x1DE20] =	vst v63  }
0x4d: {  	_ =	swait.ge [sflag:s26], $0x2710  }
0x4e: {  	[sflag:s26] =	ssyncset.done $0x0  }
0x4f: {  	s7 =	rddreg [dreg:$0x4];
	[sflag:s26] =	ssyncadd.s32 $0xFFFFD8F0  }
0x50: {  	[tilespmem:s5], [sflag:$0x5] =	stream.linear.gather [hbm4b:s7+s5], $0x2710, $0x38;
	[tilespmem:$0x1DE20] =	vst v63  }
0x51: {  	_ =	swait.ge [sflag:s26], $0x2710  }
0x52: {  	[sflag:s26] =	ssyncset.done $0x0  }
0x53: {  	[sflag:s26] =	ssyncadd.s32 $0xFFFFD8F0  }
0x54: {  	[bflag:$0x0] =	sbarrier.arrive $0xFFFF  }
0x55: {  	[tilespmem:s24], [sflag:$0x1] =	stream.indirect.gather [hbm4b:s4+s29], $0x80, s5, s29, $0xb8;
	[tilespmem:$0x1DE20] =	vst v63  }
0x56: {  	_ = 	snop  }
0x57: {  	[tilespmem:s30], [sflag:$0x2] =	stream.indirect.gather [hbm4b:s4+s29], $0x80, s29, s29, $0xb8;
	[tilespmem:$0x1DE20] =	vst v63  }
0x58: {  	_ =	swait.ge [sflag:s31], $0x2800  }
0x59: {  	[sflag:s31] =	ssyncset.done $0x0  }
0x5a: {  	s7 =	simm.s32 $0x2710;
	[sflag:s31] =	ssyncadd.s32 $0xFFFFD800  }
0x5b: {  	[spmem:s2] =	stream.indirect.scatter.add.f32 [tilespmem:s24], [sflag:$0x3], $0x80, s7, s29, $0xb8;
	[tilespmem:$0x1DE20] =	vst v63  }
0x5c: {  	_ =	swait.ge [sflag:s0], $0x2800  }
0x5d: {  	[sflag:s0] =	ssyncset.done $0x0  }
0x5e: {  	s6 =	simm.s32 $0x2760;
	[sflag:s0] =	ssyncadd.s32 $0xFFFFD800  }
0x5f: {  	[spmem:s2] =	stream.indirect.scatter.add.f32 [tilespmem:s30], [sflag:$0x4], $0x80, s6, s29, $0xb8;
	[tilespmem:$0x1DE20] =	vst v63  }
0x60: {  	_ =	swait.ge [sflag:s1], $0x2800  }
0x61: {  	[sflag:s1] =	ssyncset.done $0x0  }
0x62: {  	s7 =	simm.s32 $0xA0;
	[sflag:s1] =	ssyncadd.s32 $0xFFFFD800  }
0x63: {  	[tilespmem:s24], [sflag:$0x1] =	stream.indirect.gather [hbm4b:s4+s29], $0x80, s7, s29, $0xb8;
	[tilespmem:$0x1DE20] =	vst v63  }
0x64: {  	_ =	swait.ge [sflag:s28], $0x2800  }
0x65: {  	[sflag:s28] =	ssyncset.done $0x0  }
0x66: {  	s5 =	simm.s32 $0x280;
	s6 =	simm.s32 $0xF0;
	[sflag:s28] =	ssyncadd.s32 $0xFFFFD800  }
.LBB2_4:
0x67: {  	[tilespmem:s30], [sflag:$0x2] =	stream.indirect.gather [hbm4b:s4+s29], $0x80, s6, s29, $0xb8;
	[tilespmem:$0x1DE20] =	vst v63  }
0x68: {  	s6 =	smov.u32 s5  }
0x69: {  	p0 =	sne.s32 s5, $0x9600;
	s5 =	sadd.s32 $0x280, s5;
	_ =	swait.ge [sflag:s31], $0x2800  }
0x6a: {  	s6 =	sshra.s32 s6, $0x2;
	[sflag:s31] =	ssyncset.done $0x0  }
0x6b: {  	s7 =	sadd.s32 $0x2710, s6;
	[sflag:s31] =	ssyncadd.s32 $0xFFFFD800  }
0x6c: {  	[spmem:s2] =	stream.indirect.scatter.add.f32 [tilespmem:s24], [sflag:$0x3], $0x80, s7, s29, $0xb8;
	[tilespmem:$0x1DE20] =	vst v63  }
0x6d: {  	_ =	swait.ge [sflag:s0], $0x2800  }
0x6e: {  	[sflag:s0] =	ssyncset.done $0x0  }
0x6f: {  	s7 =	sadd.s32 $0x2760, s6;
	[sflag:s0] =	ssyncadd.s32 $0xFFFFD800  }
0x70: {  	[spmem:s2] =	stream.indirect.scatter.add.f32 [tilespmem:s30], [sflag:$0x4], $0x80, s7, s29, $0xb8;
	[tilespmem:$0x1DE20] =	vst v63  }
0x71: {  	_ =	swait.ge [sflag:s1], $0x2800  }
0x72: {  	[sflag:s1] =	ssyncset.done $0x0  }
.Ltmp1:
0x73: {  	s7 =	sadd.s32 $0xA0, s6;
	[sflag:s1] =	ssyncadd.s32 $0xFFFFD800;
	(pc) =	sbr.rel @p0 .LBB2_4-.Ltmp1, $4  }
0x74: {  	[tilespmem:s24], [sflag:$0x1] =	stream.indirect.gather [hbm4b:s4+s29], $0x80, s7, s29, $0xb8;
	[tilespmem:$0x1DE20] =	vst v63  }
0x75: {  	_ =	swait.ge [sflag:s28], $0x2800  }
0x76: {  	[sflag:s28] =	ssyncset.done $0x0  }
0x77: {  	s6 =	sadd.s32 $0xF0, s6;
	[sflag:s28] =	ssyncadd.s32 $0xFFFFD800  }
0x78: {  	[tilespmem:s30], [sflag:$0x2] =	stream.indirect.gather [hbm4b:s4+s29], $0x80, s6, s29, $0xb8;
	[tilespmem:$0x1DE20] =	vst v63  }
0x79: {  	_ =	swait.ge [sflag:s31], $0x2800  }
0x7a: {  	[sflag:s31] =	ssyncset.done $0x0  }
0x7b: {  	s5 =	simm.s32 $0x4D30;
	[sflag:s31] =	ssyncadd.s32 $0xFFFFD800  }
0x7c: {  	[spmem:s2] =	stream.indirect.scatter.add.f32 [tilespmem:s24], [sflag:$0x3], $0x80, s5, s29, $0xb8;
	[tilespmem:$0x1DE20] =	vst v63  }
0x7d: {  	_ =	swait.ge [sflag:s0], $0x2800  }
0x7e: {  	[sflag:s0] =	ssyncset.done $0x0  }
0x7f: {  	s7 =	simm.s32 $0x4D80;
	[sflag:s0] =	ssyncadd.s32 $0xFFFFD800  }
0x80: {  	[spmem:s2] =	stream.indirect.scatter.add.f32 [tilespmem:s30], [sflag:$0x4], $0x80, s7, s29, $0xb8;
	[tilespmem:$0x1DE20] =	vst v63  }
0x81: {  	_ =	swait.ge [sflag:s1], $0x2800  }
0x82: {  	[sflag:s1] =	ssyncset.done $0x0  }
0x83: {  	s6 =	simm.s32 $0x26C0;
	[sflag:s1] =	ssyncadd.s32 $0xFFFFD800  }
0x84: {  	[tilespmem:s24], [sflag:$0x1] =	stream.indirect.gather [hbm4b:s4+s29], $0x80, s6, s29, $0xb8;
	[tilespmem:$0x1DE20] =	vst v63  }
0x85: {  	_ =	swait.ge [sflag:s31], $0x2800  }
0x86: {  	[sflag:s31] =	ssyncset.done $0x0  }
0x87: {  	s7 =	simm.s32 $0x4DD0;
	[sflag:s31] =	ssyncadd.s32 $0xFFFFD800  }
0x88: {  	[spmem:s2] =	stream.indirect.scatter.add.f32 [tilespmem:s24], [sflag:$0x3], $0x80, s7, s29, $0xb8;
	[tilespmem:$0x1DE20] =	vst v63  }
0x89: {  	_ =	swait.ge [sflag:s28], $0x2800  }
0x8a: {  	[sflag:s28] =	ssyncset.done $0x0  }
0x8b: {  	[sflag:s28] =	ssyncadd.s32 $0xFFFFD800  }
0x8c: {  	_ =	swait.ge [sflag:s1], $0x2800  }
0x8d: {  	[sflag:s1] =	ssyncset.done $0x0  }
0x8e: {  	s6 =	stileid.u32;
	[sflag:s1] =	ssyncadd.s32 $0xFFFFD800  }
0x8f: {  	s5 =	sshll.u32 s6, $0x6;
	[bflag:$0x0] =	sbarrier.arrive $0xFFFF  }
0x90: {  	s5 =	sor.u32 $0x1C05, s5;
	s7 =	rddreg [dreg:$0x5]  }
0x91: {  	[hbm:s7], [sflag:s5] =	dma.local [spmem:s25], $0x500  }
0x92: {  	_ =	swait.ge [sflag:s26], $0x500  }
0x93: {  	[sflag:s26] =	ssyncset.done $0x0  }
0x94: {  	s7 =	sshrl.u32 s10, $0x3;
	[sflag:s26] =	ssyncadd.s32 $0xFFFFFB00  }
0x95: {  	[hbm:s17], [sflag:s5] =	dma.local [spmem:s7], $0x500  }
0x96: {  	_ =	swait.ge [sflag:s26], $0x500  }
0x97: {  	[sflag:s26] =	ssyncset.done $0x0  }
0x98: {  	s7 =	sshrl.u32 s11, $0x3;
	[sflag:s26] =	ssyncadd.s32 $0xFFFFFB00  }
0x99: {  	[hbm:s18], [sflag:s5] =	dma.local [spmem:s7], $0x500  }
0x9a: {  	_ =	swait.ge [sflag:s26], $0x500  }
0x9b: {  	[sflag:s26] =	ssyncset.done $0x0  }
0x9c: {  	s7 =	sshrl.u32 s12, $0x3;
	[sflag:s26] =	ssyncadd.s32 $0xFFFFFB00  }
0x9d: {  	[hbm:s19], [sflag:s5] =	dma.local [spmem:s7], $0x500  }
0x9e: {  	_ =	swait.ge [sflag:s26], $0x500  }
0x9f: {  	[sflag:s26] =	ssyncset.done $0x0  }
0xa0: {  	s7 =	sshrl.u32 s13, $0x3;
	[sflag:s26] =	ssyncadd.s32 $0xFFFFFB00  }
0xa1: {  	[hbm:s20], [sflag:s5] =	dma.local [spmem:s7], $0x500  }
0xa2: {  	_ =	swait.ge [sflag:s26], $0x500  }
0xa3: {  	[sflag:s26] =	ssyncset.done $0x0  }
0xa4: {  	s7 =	sshrl.u32 s14, $0x3;
	[sflag:s26] =	ssyncadd.s32 $0xFFFFFB00  }
0xa5: {  	[hbm:s21], [sflag:s5] =	dma.local [spmem:s7], $0x500  }
0xa6: {  	_ =	swait.ge [sflag:s26], $0x500  }
0xa7: {  	[sflag:s26] =	ssyncset.done $0x0  }
0xa8: {  	s7 =	sshrl.u32 s15, $0x3;
	[sflag:s26] =	ssyncadd.s32 $0xFFFFFB00  }
0xa9: {  	[hbm:s22], [sflag:s5] =	dma.local [spmem:s7], $0x500  }
0xaa: {  	s3 =	sadd.s32 $0x1, s3;
	_ =	swait.ge [sflag:s26], $0x500  }
0xab: {  	p0 =	sne.s32 s3, s8;
	[sflag:s26] =	ssyncset.done $0x0  }
.Ltmp2:
0xac: {  	s7 =	sshrl.u32 s16, $0x3;
	[sflag:s26] =	ssyncadd.s32 $0xFFFFFB00;
	(pc) =	sbr.rel @p0 .LBB2_1-.Ltmp2, $4  }
0xad: {  	[hbm:s23], [sflag:s5] =	dma.local [spmem:s7], $0x500  }
0xae: {  	_ =	swait.ge [sflag:s26], $0x500  }
0xaf: {  	[sflag:s26] =	ssyncset.done $0x0  }
0xb0: {  	[sflag:s26] =	ssyncadd.s32 $0xFFFFFB00  }
0xb1: {  	_ =	sfence.sel $0x180000  }
0xb2: {  	[bflag:$0x0] =	sbarrier.arrive $0xFFFF  }
0xb3: {  	_ =	strace $0x9000004A  }
0xb4: {  	s0 =	stileid.u32;
	[bflag:$0x2] =	sbarrier.arrive $0xFFFF  }
0xb5: {  	p0 =	sne.s32 s0, $0x0;
	s0 =	rddreg [dreg:$0x2]  }
0xb6: {  	s0 =	sadd.s32 @!p0 $0x100000, s0  }
0xb7: {  	[sflag:s0] =	ssyncadd.tile.s32 @!p0 $0x1;
	_ =	shalt  }
.Lfunc_end2:
_tile_overlayer_lowered:
.L_overlay_start_2:
0xb8: {  	(tag) =	ssettag $0x2  }
0xb9: {  	s0 =	rddreg [dreg:$0x0];
	s2 =	stileid.u32  }
0xba: {  	s1 =	rddreg [dreg:$0x1];
	p0 =	sne.s32 s2, $0x0  }
0xbb: {  	s3 =	rddreg [dreg:$0x2];
	[bflag:$0x3] =	sbarrier.arrive $0xFFFF;
	s2 =	simm.s32 @!p0 $0x1C05  }
0xbc: {  	[timem:s3], [sflag:s2] =	dma.local @!p0 [hbm:s0], s1  }
0xbd: {  	s0 =	simm.s32 @!p0 $0x5  }
0xbe: {  	_ =	swait.ge @!p0 [sflag:s0], s1  }
0xbf: {  	s1 =	ssub.s32 @!p0 $0x0, s1;
	[sflag:s0] =	ssyncset.done @!p0 $0x0  }
0xc0: {  	[sflag:s0] =	ssyncadd.s32 @!p0 s1  }
0xc1: {  	[bflag:$0x3] =	sbarrier.arrive $0xFFFF  }
0xc2: {  	_ =	shalt  }

// kernel: kernel.14.cloned.1.call-start
scs
__scs_entry_jumppad:
0x0: {  	(pc) =	sbr.rel $0x88, $3  }
0x1: {  	(tag) =	ssettag $0x0;
	lr =	simm.s32 $0x1  }
0x2: {  	[smem:$0x3F9B] =	sst lr;
	_ =	strace $0xD0000000  }
0x3: {  	_ = 	snop  }
0x4: {  	_ = 	snop  }
0x5: {  	_ = 	snop  }
0x6: {  	_ = 	snop  }
0x7: {  	_ = 	snop  }
__scs_overlays_trampoline_lowered:
0x8: {  	[smem:$0x3FAA] =	sst s0  }
0x9: {  	[smem:$0x3FAB] =	sst s1  }
0xa: {  	[smem:$0x3FAC] =	sst s2  }
0xb: {  	[smem:$0x3FAD] =	sst s3  }
0xc: {  	[smem:$0x3FAE] =	sst s4  }
0xd: {  	[smem:$0x3FAF] =	sst s5  }
0xe: {  	[smem:$0x3FB0] =	sst s6  }
0xf: {  	[smem:$0x3FB1] =	sst s7  }
0x10: {  	[smem:$0x3FB2] =	sst s8  }
0x11: {  	[smem:$0x3FB3] =	sst s9;
	s0 =	simm.s32 @!p0 $0x0  }
0x12: {  	s1 =	sld [smem:$0x3F99];
	s0 =	simm.s32 @p0 $0x1  }
0x13: {  	[smem:$0x3FB4] =	sst s0;
	s0 =	simm.s32 @!p1 $0x0  }
0x14: {  	s2 =	sld [smem:$0x3F98];
	s0 =	simm.s32 @p1 $0x1  }
0x15: {  	[smem:$0x3FB5] =	sst s0;
	s0 =	simm.s32 @!p2 $0x0  }
0x16: {  	s3 =	sld [smem:$0x3FDB];
	s0 =	simm.s32 @p2 $0x1  }
0x17: {  	s4 =	simm.s32 $0x1BF5;
	[smem:$0x3FB7] =	sst s0  }
0x18: {  	s0 =	sld [smem:$0x3F9A];
	_ =	swait.ge [sflag:s4], $0x0  }
0x19: {  	s7 =	sld [smem:$0x3F9B]  }
0x1a: {  	s8 =	sadd.s32 $0xFFFFE003, lr  }
0x1b: {  	s9 =	sadd.s32 $0xFFFFFEF7, lr;
	s5 =	simm.s32 $0xFFFFFFFF;
	p2 =	slt.u32 s8, $0xFFFFF086  }
0x1c: {  	p1 =	slt.u32 s9, $0xF7A;
	s5 =	simm.s32 @!p2 $0x0  }
0x1d: {  	s5 =	simm.s32 @p1 $0x1;
	p0 =	seq.s32 s7, s2  }
0x1e: {  	s7 =	smul.u32 @!p0 $0xF7A, s2;
	p2 =	seq.s32 @!p0 s5, $0x0  }
0x1f: {  	s9 =	smul.u32 $0xF7A, s1;
	s8 =	simm.s32 @!p0 $0x1BF5;
	p2 =	por !p2, p0  }
0x20: {  	[sflag:s8] =	ssyncset.s32 @!p0 $0xFFFFF086;
	s6 =	sadd.s32 @!p0 s3, s7;
	s7 =	simm.s32 @!p0 $0x108  }
0x21: {  	s3 =	sadd.s32 s3, s9;
	s6 =	sadd.s32 @!p0 $0x88, s6;
	s7 =	simm.s32 @p2 $0x1082  }
0x22: {  	[simem:s7], [sflag:s8] =	dma.local @!p0 [hbm:s6], $0xF7A  }
0x23: {  	s9 =	sor.u32 $0xD0000000, s2;
	s6 =	simm.s32 $0x108;
	_ =	swait.ge @!p0 [sflag:s8], $0x0  }
0x24: {  	s3 =	sadd.s32 $0x88, s3;
	s6 =	simm.s32 @!p1 $0x1082;
	[sflag:s4] =	ssyncset.s32 $0xFFFFF086  }
0x25: {  	[simem:s6], [sflag:s4] =	dma.local [hbm:s3], $0xF7A  }
0x26: {  	[smem:$0x3F9B] =	sst s1;
	(tag) =	ssettag s2;
	_ =	strace s9  }
0x27: {  	s1 =	sld [smem:$0x3FAB]  }
0x28: {  	s2 =	sld [smem:$0x3FAC]  }
0x29: {  	s4 =	sld [smem:$0x3FAE]  }
0x2a: {  	p0 =	seq.s32 s5, $0x0;
	s5 =	sld [smem:$0x3FAF]  }
0x2b: {  	s6 =	sld [smem:$0x3FB0]  }
0x2c: {  	s7 =	sld [smem:$0x3FB1]  }
0x2d: {  	s3 =	simm.s32 $0x108;
	s8 =	sld [smem:$0x3FB2]  }
0x2e: {  	s3 =	simm.s32 @!p0 $0x1082;
	s9 =	sld [smem:$0x3FB3]  }
0x2f: {  	lr =	sadd.s32 s0, s3;
	s0 =	sld [smem:$0x3FAA]  }
0x30: {  	s3 =	sld [smem:$0x3FAD]  }
0x31: {  	[smem:$0x3FB6] =	sst s10  }
0x32: {  	s10 =	sld [smem:$0x3FB4];
	_ =	sdelay $0x3  }
0x33: {  	p0 =	seq.s32 s10, $0x1;
	s10 =	sld [smem:$0x3FB6];
	_ =	sdelay $0x3  }
0x34: {  	[smem:$0x3FB6] =	sst s10  }
0x35: {  	s10 =	sld [smem:$0x3FB5];
	_ =	sdelay $0x3  }
0x36: {  	p1 =	seq.s32 s10, $0x1;
	s10 =	sld [smem:$0x3FB6];
	_ =	sdelay $0x3  }
0x37: {  	[smem:$0x3FB6] =	sst s10  }
0x38: {  	s10 =	sld [smem:$0x3FB7]  }
0x39: {  	_ = 	snop;
	(pc) =	sbr.ind lr, $3  }
0x3a: {  	_ = 	snop  }
0x3b: {  	_ = 	snop  }
0x3c: {  	p2 =	seq.s32 s10, $0x1;
	s10 =	sld [smem:$0x3FB6]  }
0x3d: {  	_ =	shalt  }
0x3e: {  	_ =	shalt  }
0x3f: {  	_ =	shalt  }
0x40: {  	_ =	shalt  }
0x41: {  	_ =	shalt  }
0x42: {  	_ =	shalt  }
0x43: {  	_ =	shalt  }
0x44: {  	_ =	shalt  }
0x45: {  	_ =	shalt  }
0x46: {  	_ =	shalt  }
0x47: {  	_ =	shalt  }
0x48: {  	_ =	shalt  }
0x49: {  	_ =	shalt  }
0x4a: {  	_ =	shalt  }
0x4b: {  	_ =	shalt  }
0x4c: {  	_ =	shalt  }
0x4d: {  	_ =	shalt  }
0x4e: {  	_ =	shalt  }
0x4f: {  	_ =	shalt  }
0x50: {  	_ =	shalt  }
0x51: {  	_ =	shalt  }
0x52: {  	_ =	shalt  }
0x53: {  	_ =	shalt  }
0x54: {  	_ =	shalt  }
0x55: {  	_ =	shalt  }
0x56: {  	_ =	shalt  }
0x57: {  	_ =	shalt  }
0x58: {  	_ =	shalt  }
0x59: {  	_ =	shalt  }
0x5a: {  	_ =	shalt  }
0x5b: {  	_ =	shalt  }
0x5c: {  	_ =	shalt  }
0x5d: {  	_ =	shalt  }
0x5e: {  	_ =	shalt  }
0x5f: {  	_ =	shalt  }
0x60: {  	_ =	shalt  }
0x61: {  	_ =	shalt  }
0x62: {  	_ =	shalt  }
0x63: {  	_ =	shalt  }
0x64: {  	_ =	shalt  }
0x65: {  	_ =	shalt  }
0x66: {  	_ =	shalt  }
0x67: {  	_ =	shalt  }
0x68: {  	_ =	shalt  }
0x69: {  	_ =	shalt  }
0x6a: {  	_ =	shalt  }
0x6b: {  	_ =	shalt  }
0x6c: {  	_ =	shalt  }
0x6d: {  	_ =	shalt  }
0x6e: {  	_ =	shalt  }
0x6f: {  	_ =	shalt  }
0x70: {  	_ =	shalt  }
0x71: {  	_ =	shalt  }
0x72: {  	_ =	shalt  }
0x73: {  	_ =	shalt  }
0x74: {  	_ =	shalt  }
0x75: {  	_ =	shalt  }
0x76: {  	_ =	shalt  }
0x77: {  	_ =	shalt  }
0x78: {  	_ =	shalt  }
0x79: {  	_ =	shalt  }
0x7a: {  	_ =	shalt  }
0x7b: {  	_ =	shalt  }
0x7c: {  	_ =	shalt  }
0x7d: {  	_ =	shalt  }
0x7e: {  	_ =	shalt  }
0x7f: {  	_ =	shalt  }
0x80: {  	_ =	shalt  }
0x81: {  	_ =	shalt  }
0x82: {  	_ =	shalt  }
0x83: {  	_ =	shalt  }
0x84: {  	_ =	shalt  }
0x85: {  	_ =	shalt  }
0x86: {  	_ =	shalt  }
0x87: {  	_ =	shalt  }
.Lfunc_end0:
.L_simem_size_0:
called_computation.2_lowered:
.L_overlay_start_0:
0x88: {  	s2 =	sld [smem:$0x3FD9]  }
0x89: {  	s3 =	sld [smem:$0x3FFE];
	_ =	sdelay $0x1  }
0x8a: {  	s1 =	srdreg.scid  }
0x8b: {  	s0 =	sand.u32 $0x1, s1  }
0x8c: {  	s16 =	sshll.u32 s0, $0xA;
	s2 =	sadd.s32 s3, s2  }
0x8d: {  	s2 =	sadd.s32 s2, s16  }
0x8e: {  	[smem:$0x3FC2] =	sst s2  }
0x8f: {  	_ = 	snop  }
0x90: {  	(tm) =	ssettm $0x1  }
0x91: {  	s17 =	sld [smem:$0x3FFB];
	_ =	sdelay $0x3  }
0x92: {  	_ =	strace s17  }
0x93: {  	s2 =	sld [smem:$0x3FFC];
	_ =	sdelay $0x3  }
0x94: {  	_ =	strace s2  }
0x95: {  	s2 =	sld [smem:$0x3FFD];
	_ =	sdelay $0x3  }
0x96: {  	_ =	strace s2  }
0x97: {  	_ =	strace $0x8FFFFFFF  }
0x98: {  	s18 =	sld [smem:$0x3FDB];
	_ =	sdelay $0x1  }
0x99: {  	s19 =	simm.s32 $_scs_section_size  }
0x9a: {  	s4 =	simm.s32 $_size__tile_overlayer_lowered;
	s5 =	simm.s32 $_tile_overlayer_lowered  }
0x9b: {  	s22 =	simm.s32 $0x1BFF;
	s21 =	sshll.u32 s5, $0x1;
	s2 =	sadd.s32 s19, s18  }
0x9c: {  	s6 =	simm.s32 $0x0;
	s20 =	sshll.u32 s4, $0x1;
	s4 =	sadd.s32 s21, s2  }
0x9d: {  	[timem:s6], [sflag:s22] =	dma.local [hbm:s4], s20  }
0x9e: {  	_ =	swait.ge [sflag:s22], s20  }
0x9f: {  	s3 =	ssub.s32 $0x0, s20;
	[sflag:s22] =	ssyncset.done $0x0  }
0xa0: {  	[sflag:s22] =	ssyncadd.s32 s3;
	_ =	sdelay $0x1  }
0xa1: {  	s23 =	simm.s32 $0x1B8B  }
0xa2: {  	_ =	swait.ge [sflag:s23], $0x1  }
0xa3: {  	[sflag:s23] =	ssyncset.done $0x0  }
0xa4: {  	s25 =	simm.s32 $0x1B8E;
	s24 =	sld [smem:$0x3FFE];
	[sflag:s23] =	ssyncadd.s32 $0xFFFFFFFF  }
0xa5: {  	s26 =	simm.s32 $execute0_lowered;
	[smem:$0x3FD2] =	sst s25  }
0xa6: {  	s4 =	sshll.u32 s26, $0x1;
	_ =	strace $0x8000004C;
	[dreg:$0x1] =	wrdreg $0xFFFFFFFF  }
0xa7: {  	s28 =	simm.s32 $_size_execute0_lowered;
	s2 =	sadd.s32 s2, s4;
	[dreg:$0x0] =	wrdreg $0x0  }
0xa8: {  	s4 =	sshll.u32 s28, $0x1;
	[dreg:$0x2] =	wrdreg s2  }
0xa9: {  	[dreg:$0x3] =	wrdreg s4  }
0xaa: {  	[dreg:$0x4] =	wrdreg $0xC0  }
0xab: {  	_ =	task [dreg:s6], $0x5FFFF  }
0xac: {  	[dreg:$0x1] =	wrdreg $0xFFFFFFFF  }
0xad: {  	[dreg:$0x0] =	wrdreg $0x60  }
0xae: {  	[dreg:$0x2] =	wrdreg s24  }
0xaf: {  	[dreg:$0x3] =	wrdreg $0x58200  }
0xb0: {  	[dreg:$0x4] =	wrdreg $0x9  }
0xb1: {  	_ =	task.clear_ibuf [dreg:s6], $0x5FFFF;
	_ =	strace $0x9000004C  }
0xb2: {  	s29 =	simm.s32 $0x9;
	_ =	strace $0x8000004E  }
0xb3: {  	_ =	swait.ge [sflag:s29], $0x1  }
0xb4: {  	[sflag:s29] =	ssyncadd.s32 $0xFFFFFFFF  }
0xb5: {  	_ =	strace $0x9000004E  }
0xb6: {  	_ =	sfence  }
0xb7: {  	s30 =	sld [smem:$0x0];
	_ =	sdelay $0x2  }
0xb8: {  	s31 =	sshll.u32 s1, $0xD;
	s1 =	sshrl.u32 s1, $0x2  }
0xb9: {  	s3 =	sand.u32 $0x4000, s31;
	s1 =	sadd.s32 s1, s30  }
0xba: {  	s0 =	sor.u32 s3, s0;
	s1 =	sshll.u32 s1, $0x11  }
0xbb: {  	s0 =	sor.u32 s1, s0  }
0xbc: {  	s0 =	sadd.s32 $0x8F2B, s0  }
0xbd: {  	[sflag:s0] =	ssyncadd.remote.s32 $0x1  }
0xbe: {  	_ =	sfence.sel $0xFFFF  }
0xbf: {  	[dreg:$0x0] =	wrdreg $0xFFFFFFFF;
	(pc) =	sbr.abs _section_cstart, $3  }
0xc0: {  	[dreg:$0x1] =	wrdreg $0xFFFFFFFF  }
0xc1: {  	_ =	task.clear_ibuf [dreg:s6], $0x2FFFF;
	_ =	strace $0x9FFFFFFF  }
0xc2: {  	(tm) =	ssettm $0x7FFFFFFF  }
0xc3: {  	_ =	shalt  }
tec
execute0_lowered:
.L_overlay_start_1:
0x0: {  	(tag) =	ssettag $0x1  }
0x1: {  	s0 =	srdreg.scid;
	s1 =	rddreg [dreg:$0x0]  }
0x2: {  	s2 =	rddreg [dreg:$0x1];
	s8 =	stileid.u32  }
0x3: {  	s3 =	simm.s32 $0x0;
	s29 =	simm.s32 $0x50;
	s30 =	simm.s32 $0x5320  }
0x4: {  	s31 =	simm.s32 $0x1;
	s28 =	simm.s32 $0x4;
	s17 =	smul.u32 $0x2800, s8  }
0x5: {  	s0 =	sand.u32 $0x1, s0;
	[smem:$0x7FF] =	sst s3;
	s9 =	smul.u32 $0xA000, s8  }
0x6: {  	s4 =	sshll.u32 s0, $0x4;
	s6 =	smul.u32 $0x28000, s0;
	s0 =	ssub.s32 $0x2, s0  }
0x7: {  	_ =	strace $0x8000004D;
	s4 =	sor.u32 s8, s4;
	s7 =	sshrl.u32 s0, $0x1  }
0x8: {  	s26 =	sshrl.u32 s9, $0x2;
	s16 =	sadd.s32 $0xF00, s17;
	s18 =	sadd.s32 $0x1400, s17  }
0x9: {  	s19 =	sadd.s32 $0x1900, s17;
	s20 =	sadd.s32 $0x1E00, s17;
	s21 =	sadd.s32 $0x2300, s17  }
0xa: {  	s5 =	smul.u32 $0x4E2, s4;
	s4 =	sadd.s32 $0x65800, s1;
	s0 =	ssub.s32 s0, s7  }
0xb: {  	s23 =	sadd.s32 s6, s17;
	s9 =	sadd.s32 s26, s2;
	s7 =	sadd.s32 $0xA00, s17  }
0xc: {  	s12 =	sadd.s32 s16, s2;
	s13 =	sadd.s32 s18, s2;
	s14 =	sadd.s32 s19, s2  }
0xd: {  	s15 =	sadd.s32 s20, s2;
	s22 =	sadd.s32 s6, s16;
	s16 =	sadd.s32 s21, s2  }
0xe: {  	s26 =	sadd.s32 s17, s2;
	s25 =	sshrl.u32 s23, $0x3;
	s5 =	sadd.s32 s5, s1  }
0xf: {  	s8 =	smax.u32 s0, $0x1;
	s11 =	sadd.s32 s7, s2;
	s24 =	sadd.s32 $0x1C00, s5  }
0x10: {  	s1 =	sadd.s32 $0x6A800, s1;
	s5 =	sadd.s32 $0xBA00, s5;
	[dreg:$0x3] =	wrdreg s24  }
0x11: {  	s23 =	sadd.s32 s6, s18;
	[dreg:$0x4] =	wrdreg s5;
	s5 =	sadd.s32 s1, s25  }
0x12: {  	s24 =	sadd.s32 s6, s19;
	[dreg:$0x5] =	wrdreg s5;
	s5 =	sor.u32 $0x500, s17  }
0x13: {  	s25 =	sadd.s32 s6, s20;
	s10 =	sadd.s32 s5, s2;
	s0 =	sadd.s32 s6, s5  }
0x14: {  	s5 =	sadd.s32 s6, s7;
	s6 =	sadd.s32 s6, s21;
	s21 =	sshrl.u32 s22, $0x3  }
0x15: {  	s22 =	sshrl.u32 s23, $0x3;
	s23 =	sshrl.u32 s24, $0x3;
	s24 =	sshrl.u32 s25, $0x3  }
0x16: {  	s0 =	sshrl.u32 s0, $0x3;
	s20 =	sshrl.u32 s5, $0x3;
	s19 =	sadd.s32 s1, s21  }
0x17: {  	s21 =	sadd.s32 s1, s23;
	s25 =	sshrl.u32 s6, $0x3;
	s17 =	sadd.s32 s1, s0  }
0x18: {  	s18 =	sadd.s32 s1, s20;
	s20 =	sadd.s32 s1, s22;
	s22 =	sadd.s32 s1, s24  }
0x19: {  	s23 =	sadd.s32 s1, s25;
	s24 =	simm.s32 $0x4E20;
	s25 =	sshrl.u32 s26, $0x3  }
0x1a: {  	v0 =	vimm.f32 $0.0e+00;
	s26 =	simm.s32 $0x5;
	s0 =	simm.s32 $0x2;
	s1 =	simm.s32 $0x3  }
.LBB2_1:
0x1b: {  	s5 =	simm.s32 $0x40;
	s6 =	simm.s32 $0x0  }
.LBB2_2:
0x1c: {  	p0 =	sne.s32 s5, $0x13C0;
	[tilespmem:s6+$0x4E20] =	vst v0;
	s6 =	smov.u32 s5;
	s5 =	sadd.s32 $0x40, s5  }
.Ltmp0:
0x1d: {  	(pc) =	sbr.rel @p0 .LBB2_2-.Ltmp0, $2  }
0x1e: {  	_ =	sdelay $0x2  }
0x1f: {  	s6 =	sshra.s32 s6, $0x2  }
0x20: {  	[tilespmem:s6+$0x4E20] =	vst v0  }
0x21: {  	[spmem:s9] =	stream.linear.scatter [tilespmem:s24], [sflag:$0x5], $0x500, $0x38;
	[tilespmem:$0x8020] =	vst v63  }
0x22: {  	_ =	swait.ge [sflag:s26], $0x500  }
0x23: {  	[sflag:s26] =	ssyncset.done $0x0  }
0x24: {  	[sflag:s26] =	ssyncadd.s32 $0xFFFFFB00  }
0x25: {  	[spmem:s10] =	stream.linear.scatter [tilespmem:s24], [sflag:$0x5], $0x500, $0x38;
	[tilespmem:$0x8020] =	vst v63  }
0x26: {  	_ =	swait.ge [sflag:s26], $0x500  }
0x27: {  	[sflag:s26] =	ssyncset.done $0x0  }
0x28: {  	[sflag:s26] =	ssyncadd.s32 $0xFFFFFB00  }
0x29: {  	[spmem:s11] =	stream.linear.scatter [tilespmem:s24], [sflag:$0x5], $0x500, $0x38;
	[tilespmem:$0x8020] =	vst v63  }
0x2a: {  	_ =	swait.ge [sflag:s26], $0x500  }
0x2b: {  	[sflag:s26] =	ssyncset.done $0x0  }
0x2c: {  	[sflag:s26] =	ssyncadd.s32 $0xFFFFFB00  }
0x2d: {  	[spmem:s12] =	stream.linear.scatter [tilespmem:s24], [sflag:$0x5], $0x500, $0x38;
	[tilespmem:$0x8020] =	vst v63  }
0x2e: {  	_ =	swait.ge [sflag:s26], $0x500  }
0x2f: {  	[sflag:s26] =	ssyncset.done $0x0  }
0x30: {  	[sflag:s26] =	ssyncadd.s32 $0xFFFFFB00  }
0x31: {  	[spmem:s13] =	stream.linear.scatter [tilespmem:s24], [sflag:$0x5], $0x500, $0x38;
	[tilespmem:$0x8020] =	vst v63  }
0x32: {  	_ =	swait.ge [sflag:s26], $0x500  }
0x33: {  	[sflag:s26] =	ssyncset.done $0x0  }
0x34: {  	[sflag:s26] =	ssyncadd.s32 $0xFFFFFB00  }
0x35: {  	[spmem:s14] =	stream.linear.scatter [tilespmem:s24], [sflag:$0x5], $0x500, $0x38;
	[tilespmem:$0x8020] =	vst v63  }
0x36: {  	_ =	swait.ge [sflag:s26], $0x500  }
0x37: {  	[sflag:s26] =	ssyncset.done $0x0  }
0x38: {  	[sflag:s26] =	ssyncadd.s32 $0xFFFFFB00  }
0x39: {  	[spmem:s15] =	stream.linear.scatter [tilespmem:s24], [sflag:$0x5], $0x500, $0x38;
	[tilespmem:$0x8020] =	vst v63  }
0x3a: {  	_ =	swait.ge [sflag:s26], $0x500  }
0x3b: {  	[sflag:s26] =	ssyncset.done $0x0  }
0x3c: {  	[sflag:s26] =	ssyncadd.s32 $0xFFFFFB00  }
0x3d: {  	[spmem:s16] =	stream.linear.scatter [tilespmem:s24], [sflag:$0x5], $0x500, $0x38;
	[tilespmem:$0x8020] =	vst v63  }
0x3e: {  	_ =	swait.ge [sflag:s26], $0x500  }
0x3f: {  	s5 =	simm.s32 $0x0;
	[sflag:s26] =	ssyncset.done $0x0  }
0x40: {  	s7 =	simm.s32 $0x2710;
	s6 =	rddreg [dreg:$0x3];
	[sflag:s26] =	ssyncadd.s32 $0xFFFFFB00  }
0x41: {  	[tilespmem:s7], [sflag:$0x5] =	stream.linear.gather [hbm4b:s6+s5], $0x2710, $0x38;
	[tilespmem:$0x8020] =	vst v63  }
0x42: {  	_ =	swait.ge [sflag:s26], $0x2710  }
0x43: {  	[sflag:s26] =	ssyncset.done $0x0  }
0x44: {  	s7 =	rddreg [dreg:$0x4];
	[sflag:s26] =	ssyncadd.s32 $0xFFFFD8F0  }
0x45: {  	[tilespmem:s5], [sflag:$0x5] =	stream.linear.gather [hbm4b:s7+s5], $0x2710, $0x38;
	[tilespmem:$0x8020] =	vst v63  }
0x46: {  	_ =	swait.ge [sflag:s26], $0x2710  }
0x47: {  	[sflag:s26] =	ssyncset.done $0x0  }
0x48: {  	[sflag:s26] =	ssyncadd.s32 $0xFFFFD8F0  }
0x49: {  	[bflag:$0x0] =	sbarrier.arrive $0xFFFF  }
0x4a: {  	[tilespmem:s24], [sflag:$0x1] =	stream.indirect.gather [hbm4b:s4+s29], $0x10, s5, s29, $0xb8;
	[tilespmem:$0x8020] =	vst v63  }
0x4b: {  	_ = 	snop  }
0x4c: {  	[tilespmem:s30], [sflag:$0x2] =	stream.indirect.gather [hbm4b:s4+s29], $0x10, s29, s29, $0xb8;
	[tilespmem:$0x8020] =	vst v63  }
0x4d: {  	_ =	swait.ge [sflag:s31], $0x500  }
0x4e: {  	[sflag:s31] =	ssyncset.done $0x0  }
0x4f: {  	s7 =	simm.s32 $0x2710;
	[sflag:s31] =	ssyncadd.s32 $0xFFFFFB00  }
0x50: {  	[spmem:s2] =	stream.indirect.scatter.add.f32 [tilespmem:s24], [sflag:$0x3], $0x10, s7, s29, $0xb8;
	[tilespmem:$0x8020] =	vst v63  }
0x51: {  	_ =	swait.ge [sflag:s0], $0x500  }
0x52: {  	[sflag:s0] =	ssyncset.done $0x0  }
0x53: {  	s6 =	simm.s32 $0x2760;
	[sflag:s0] =	ssyncadd.s32 $0xFFFFFB00  }
0x54: {  	[spmem:s2] =	stream.indirect.scatter.add.f32 [tilespmem:s30], [sflag:$0x4], $0x10, s6, s29, $0xb8;
	[tilespmem:$0x8020] =	vst v63  }
0x55: {  	_ =	swait.ge [sflag:s1], $0x500  }
0x56: {  	[sflag:s1] =	ssyncset.done $0x0  }
0x57: {  	s7 =	simm.s32 $0xA0;
	[sflag:s1] =	ssyncadd.s32 $0xFFFFFB00  }
0x58: {  	[tilespmem:s24], [sflag:$0x1] =	stream.indirect.gather [hbm4b:s4+s29], $0x10, s7, s29, $0xb8;
	[tilespmem:$0x8020] =	vst v63  }
0x59: {  	_ =	swait.ge [sflag:s28], $0x500  }
0x5a: {  	[sflag:s28] =	ssyncset.done $0x0  }
0x5b: {  	s5 =	simm.s32 $0x280;
	s6 =	simm.s32 $0xF0;
	[sflag:s28] =	ssyncadd.s32 $0xFFFFFB00  }
.LBB2_4:
0x5c: {  	[tilespmem:s30], [sflag:$0x2] =	stream.indirect.gather [hbm4b:s4+s29], $0x10, s6, s29, $0xb8;
	[tilespmem:$0x8020] =	vst v63  }
0x5d: {  	s6 =	smov.u32 s5  }
0x5e: {  	p0 =	sne.s32 s5, $0x9600;
	s5 =	sadd.s32 $0x280, s5;
	_ =	swait.ge [sflag:s31], $0x500  }
0x5f: {  	s6 =	sshra.s32 s6, $0x2;
	[sflag:s31] =	ssyncset.done $0x0  }
0x60: {  	s7 =	sadd.s32 $0x2710, s6;
	[sflag:s31] =	ssyncadd.s32 $0xFFFFFB00  }
0x61: {  	[spmem:s2] =	stream.indirect.scatter.add.f32 [tilespmem:s24], [sflag:$0x3], $0x10, s7, s29, $0xb8;
	[tilespmem:$0x8020] =	vst v63  }
0x62: {  	_ =	swait.ge [sflag:s0], $0x500  }
0x63: {  	[sflag:s0] =	ssyncset.done $0x0  }
0x64: {  	s7 =	sadd.s32 $0x2760, s6;
	[sflag:s0] =	ssyncadd.s32 $0xFFFFFB00  }
0x65: {  	[spmem:s2] =	stream.indirect.scatter.add.f32 [tilespmem:s30], [sflag:$0x4], $0x10, s7, s29, $0xb8;
	[tilespmem:$0x8020] =	vst v63  }
0x66: {  	_ =	swait.ge [sflag:s1], $0x500  }
0x67: {  	[sflag:s1] =	ssyncset.done $0x0  }
.Ltmp1:
0x68: {  	s7 =	sadd.s32 $0xA0, s6;
	[sflag:s1] =	ssyncadd.s32 $0xFFFFFB00;
	(pc) =	sbr.rel @p0 .LBB2_4-.Ltmp1, $4  }
0x69: {  	[tilespmem:s24], [sflag:$0x1] =	stream.indirect.gather [hbm4b:s4+s29], $0x10, s7, s29, $0xb8;
	[tilespmem:$0x8020] =	vst v63  }
0x6a: {  	_ =	swait.ge [sflag:s28], $0x500  }
0x6b: {  	[sflag:s28] =	ssyncset.done $0x0  }
0x6c: {  	s6 =	sadd.s32 $0xF0, s6;
	[sflag:s28] =	ssyncadd.s32 $0xFFFFFB00  }
0x6d: {  	[tilespmem:s30], [sflag:$0x2] =	stream.indirect.gather [hbm4b:s4+s29], $0x10, s6, s29, $0xb8;
	[tilespmem:$0x8020] =	vst v63  }
0x6e: {  	_ =	swait.ge [sflag:s31], $0x500  }
0x6f: {  	[sflag:s31] =	ssyncset.done $0x0  }
0x70: {  	s5 =	simm.s32 $0x4D30;
	[sflag:s31] =	ssyncadd.s32 $0xFFFFFB00  }
0x71: {  	[spmem:s2] =	stream.indirect.scatter.add.f32 [tilespmem:s24], [sflag:$0x3], $0x10, s5, s29, $0xb8;
	[tilespmem:$0x8020] =	vst v63  }
0x72: {  	_ =	swait.ge [sflag:s0], $0x500  }
0x73: {  	[sflag:s0] =	ssyncset.done $0x0  }
0x74: {  	s7 =	simm.s32 $0x4D80;
	[sflag:s0] =	ssyncadd.s32 $0xFFFFFB00  }
0x75: {  	[spmem:s2] =	stream.indirect.scatter.add.f32 [tilespmem:s30], [sflag:$0x4], $0x10, s7, s29, $0xb8;
	[tilespmem:$0x8020] =	vst v63  }
0x76: {  	_ =	swait.ge [sflag:s1], $0x500  }
0x77: {  	[sflag:s1] =	ssyncset.done $0x0  }
0x78: {  	s6 =	simm.s32 $0x26C0;
	[sflag:s1] =	ssyncadd.s32 $0xFFFFFB00  }
0x79: {  	[tilespmem:s24], [sflag:$0x1] =	stream.indirect.gather [hbm4b:s4+s29], $0x10, s6, s29, $0xb8;
	[tilespmem:$0x8020] =	vst v63  }
0x7a: {  	_ =	swait.ge [sflag:s31], $0x500  }
0x7b: {  	[sflag:s31] =	ssyncset.done $0x0  }
0x7c: {  	s7 =	simm.s32 $0x4DD0;
	[sflag:s31] =	ssyncadd.s32 $0xFFFFFB00  }
0x7d: {  	[spmem:s2] =	stream.indirect.scatter.add.f32 [tilespmem:s24], [sflag:$0x3], $0x10, s7, s29, $0xb8;
	[tilespmem:$0x8020] =	vst v63  }
0x7e: {  	_ =	swait.ge [sflag:s28], $0x500  }
0x7f: {  	[sflag:s28] =	ssyncset.done $0x0  }
0x80: {  	[sflag:s28] =	ssyncadd.s32 $0xFFFFFB00  }
0x81: {  	_ =	swait.ge [sflag:s1], $0x500  }
0x82: {  	[sflag:s1] =	ssyncset.done $0x0  }
0x83: {  	s6 =	stileid.u32;
	[sflag:s1] =	ssyncadd.s32 $0xFFFFFB00  }
0x84: {  	s5 =	sshll.u32 s6, $0x6;
	[bflag:$0x0] =	sbarrier.arrive $0xFFFF  }
0x85: {  	s5 =	sor.u32 $0x1C05, s5;
	s7 =	rddreg [dreg:$0x5]  }
0x86: {  	[hbm:s7], [sflag:s5] =	dma.local [spmem:s25], $0xA0  }
0x87: {  	_ =	swait.ge [sflag:s26], $0xA0  }
0x88: {  	[sflag:s26] =	ssyncset.done $0x0  }
0x89: {  	s7 =	sshrl.u32 s10, $0x3;
	[sflag:s26] =	ssyncadd.s32 $0xFFFFFF60  }
0x8a: {  	[hbm:s17], [sflag:s5] =	dma.local [spmem:s7], $0xA0  }
0x8b: {  	_ =	swait.ge [sflag:s26], $0xA0  }
0x8c: {  	[sflag:s26] =	ssyncset.done $0x0  }
0x8d: {  	s7 =	sshrl.u32 s11, $0x3;
	[sflag:s26] =	ssyncadd.s32 $0xFFFFFF60  }
0x8e: {  	[hbm:s18], [sflag:s5] =	dma.local [spmem:s7], $0xA0  }
0x8f: {  	_ =	swait.ge [sflag:s26], $0xA0  }
0x90: {  	[sflag:s26] =	ssyncset.done $0x0  }
0x91: {  	s7 =	sshrl.u32 s12, $0x3;
	[sflag:s26] =	ssyncadd.s32 $0xFFFFFF60  }
0x92: {  	[hbm:s19], [sflag:s5] =	dma.local [spmem:s7], $0xA0  }
0x93: {  	_ =	swait.ge [sflag:s26], $0xA0  }
0x94: {  	[sflag:s26] =	ssyncset.done $0x0  }
0x95: {  	s7 =	sshrl.u32 s13, $0x3;
	[sflag:s26] =	ssyncadd.s32 $0xFFFFFF60  }
0x96: {  	[hbm:s20], [sflag:s5] =	dma.local [spmem:s7], $0xA0  }
0x97: {  	_ =	swait.ge [sflag:s26], $0xA0  }
0x98: {  	[sflag:s26] =	ssyncset.done $0x0  }
0x99: {  	s7 =	sshrl.u32 s14, $0x3;
	[sflag:s26] =	ssyncadd.s32 $0xFFFFFF60  }
0x9a: {  	[hbm:s21], [sflag:s5] =	dma.local [spmem:s7], $0xA0  }
0x9b: {  	_ =	swait.ge [sflag:s26], $0xA0  }
0x9c: {  	[sflag:s26] =	ssyncset.done $0x0  }
0x9d: {  	s7 =	sshrl.u32 s15, $0x3;
	[sflag:s26] =	ssyncadd.s32 $0xFFFFFF60  }
0x9e: {  	[hbm:s22], [sflag:s5] =	dma.local [spmem:s7], $0xA0  }
0x9f: {  	s3 =	sadd.s32 $0x1, s3;
	_ =	swait.ge [sflag:s26], $0xA0  }
0xa0: {  	p0 =	sne.s32 s3, s8;
	[sflag:s26] =	ssyncset.done $0x0  }
.Ltmp2:
0xa1: {  	s7 =	sshrl.u32 s16, $0x3;
	[sflag:s26] =	ssyncadd.s32 $0xFFFFFF60;
	(pc) =	sbr.rel @p0 .LBB2_1-.Ltmp2, $4  }
0xa2: {  	[hbm:s23], [sflag:s5] =	dma.local [spmem:s7], $0xA0  }
0xa3: {  	_ =	swait.ge [sflag:s26], $0xA0  }
0xa4: {  	[sflag:s26] =	ssyncset.done $0x0  }
0xa5: {  	[sflag:s26] =	ssyncadd.s32 $0xFFFFFF60  }
0xa6: {  	_ =	sfence.sel $0x180000  }
0xa7: {  	[bflag:$0x0] =	sbarrier.arrive $0xFFFF  }
0xa8: {  	_ =	strace $0x9000004D  }
0xa9: {  	s0 =	stileid.u32;
	[bflag:$0x2] =	sbarrier.arrive $0xFFFF  }
0xaa: {  	p0 =	sne.s32 s0, $0x0;
	s0 =	rddreg [dreg:$0x2]  }
0xab: {  	s0 =	sadd.s32 @!p0 $0x100000, s0  }
0xac: {  	[sflag:s0] =	ssyncadd.tile.s32 @!p0 $0x1;
	_ =	shalt  }
.Lfunc_end2:
_tile_overlayer_lowered:
.L_overlay_start_2:
0xad: {  	(tag) =	ssettag $0x2  }
0xae: {  	s0 =	rddreg [dreg:$0x0];
	s2 =	stileid.u32  }
0xaf: {  	s1 =	rddreg [dreg:$0x1];
	p0 =	sne.s32 s2, $0x0  }
0xb0: {  	s3 =	rddreg [dreg:$0x2];
	[bflag:$0x3] =	sbarrier.arrive $0xFFFF;
	s2 =	simm.s32 @!p0 $0x1C05  }
0xb1: {  	[timem:s3], [sflag:s2] =	dma.local @!p0 [hbm:s0], s1  }
0xb2: {  	s0 =	simm.s32 @!p0 $0x5  }
0xb3: {  	_ =	swait.ge @!p0 [sflag:s0], s1  }
0xb4: {  	s1 =	ssub.s32 @!p0 $0x0, s1;
	[sflag:s0] =	ssyncset.done @!p0 $0x0  }
0xb5: {  	[sflag:s0] =	ssyncadd.s32 @!p0 s1  }
0xb6: {  	[bflag:$0x3] =	sbarrier.arrive $0xFFFF  }
0xb7: {  	_ =	shalt  }

// kernel: kernel.8.cloned.1.call-start
scs
__scs_entry_jumppad:
0x0: {  	(pc) =	sbr.rel $0x88, $3  }
0x1: {  	(tag) =	ssettag $0x0;
	lr =	simm.s32 $0x1  }
0x2: {  	[smem:$0x3F9B] =	sst lr;
	_ =	strace $0xD0000000  }
0x3: {  	_ = 	snop  }
0x4: {  	_ = 	snop  }
0x5: {  	_ = 	snop  }
0x6: {  	_ = 	snop  }
0x7: {  	_ = 	snop  }
__scs_overlays_trampoline_lowered:
0x8: {  	[smem:$0x3FAA] =	sst s0  }
0x9: {  	[smem:$0x3FAB] =	sst s1  }
0xa: {  	[smem:$0x3FAC] =	sst s2  }
0xb: {  	[smem:$0x3FAD] =	sst s3  }
0xc: {  	[smem:$0x3FAE] =	sst s4  }
0xd: {  	[smem:$0x3FAF] =	sst s5  }
0xe: {  	[smem:$0x3FB0] =	sst s6  }
0xf: {  	[smem:$0x3FB1] =	sst s7  }
0x10: {  	[smem:$0x3FB2] =	sst s8  }
0x11: {  	[smem:$0x3FB3] =	sst s9;
	s0 =	simm.s32 @!p0 $0x0  }
0x12: {  	s1 =	sld [smem:$0x3F99];
	s0 =	simm.s32 @p0 $0x1  }
0x13: {  	[smem:$0x3FB4] =	sst s0;
	s0 =	simm.s32 @!p1 $0x0  }
0x14: {  	s2 =	sld [smem:$0x3F98];
	s0 =	simm.s32 @p1 $0x1  }
0x15: {  	[smem:$0x3FB5] =	sst s0;
	s0 =	simm.s32 @!p2 $0x0  }
0x16: {  	s3 =	sld [smem:$0x3FDB];
	s0 =	simm.s32 @p2 $0x1  }
0x17: {  	s4 =	simm.s32 $0x1BF5;
	[smem:$0x3FB7] =	sst s0  }
0x18: {  	s0 =	sld [smem:$0x3F9A];
	_ =	swait.ge [sflag:s4], $0x0  }
0x19: {  	s7 =	sld [smem:$0x3F9B]  }
0x1a: {  	s8 =	sadd.s32 $0xFFFFE003, lr  }
0x1b: {  	s9 =	sadd.s32 $0xFFFFFEF7, lr;
	s5 =	simm.s32 $0xFFFFFFFF;
	p2 =	slt.u32 s8, $0xFFFFF086  }
0x1c: {  	p1 =	slt.u32 s9, $0xF7A;
	s5 =	simm.s32 @!p2 $0x0  }
0x1d: {  	s5 =	simm.s32 @p1 $0x1;
	p0 =	seq.s32 s7, s2  }
0x1e: {  	s7 =	smul.u32 @!p0 $0xF7A, s2;
	p2 =	seq.s32 @!p0 s5, $0x0  }
0x1f: {  	s9 =	smul.u32 $0xF7A, s1;
	s8 =	simm.s32 @!p0 $0x1BF5;
	p2 =	por !p2, p0  }
0x20: {  	[sflag:s8] =	ssyncset.s32 @!p0 $0xFFFFF086;
	s6 =	sadd.s32 @!p0 s3, s7;
	s7 =	simm.s32 @!p0 $0x108  }
0x21: {  	s3 =	sadd.s32 s3, s9;
	s6 =	sadd.s32 @!p0 $0x88, s6;
	s7 =	simm.s32 @p2 $0x1082  }
0x22: {  	[simem:s7], [sflag:s8] =	dma.local @!p0 [hbm:s6], $0xF7A  }
0x23: {  	s9 =	sor.u32 $0xD0000000, s2;
	s6 =	simm.s32 $0x108;
	_ =	swait.ge @!p0 [sflag:s8], $0x0  }
0x24: {  	s3 =	sadd.s32 $0x88, s3;
	s6 =	simm.s32 @!p1 $0x1082;
	[sflag:s4] =	ssyncset.s32 $0xFFFFF086  }
0x25: {  	[simem:s6], [sflag:s4] =	dma.local [hbm:s3], $0xF7A  }
0x26: {  	[smem:$0x3F9B] =	sst s1;
	(tag) =	ssettag s2;
	_ =	strace s9  }
0x27: {  	s1 =	sld [smem:$0x3FAB]  }
0x28: {  	s2 =	sld [smem:$0x3FAC]  }
0x29: {  	s4 =	sld [smem:$0x3FAE]  }
0x2a: {  	p0 =	seq.s32 s5, $0x0;
	s5 =	sld [smem:$0x3FAF]  }
0x2b: {  	s6 =	sld [smem:$0x3FB0]  }
0x2c: {  	s7 =	sld [smem:$0x3FB1]  }
0x2d: {  	s3 =	simm.s32 $0x108;
	s8 =	sld [smem:$0x3FB2]  }
0x2e: {  	s3 =	simm.s32 @!p0 $0x1082;
	s9 =	sld [smem:$0x3FB3]  }
0x2f: {  	lr =	sadd.s32 s0, s3;
	s0 =	sld [smem:$0x3FAA]  }
0x30: {  	s3 =	sld [smem:$0x3FAD]  }
0x31: {  	[smem:$0x3FB6] =	sst s10  }
0x32: {  	s10 =	sld [smem:$0x3FB4];
	_ =	sdelay $0x3  }
0x33: {  	p0 =	seq.s32 s10, $0x1;
	s10 =	sld [smem:$0x3FB6];
	_ =	sdelay $0x3  }
0x34: {  	[smem:$0x3FB6] =	sst s10  }
0x35: {  	s10 =	sld [smem:$0x3FB5];
	_ =	sdelay $0x3  }
0x36: {  	p1 =	seq.s32 s10, $0x1;
	s10 =	sld [smem:$0x3FB6];
	_ =	sdelay $0x3  }
0x37: {  	[smem:$0x3FB6] =	sst s10  }
0x38: {  	s10 =	sld [smem:$0x3FB7]  }
0x39: {  	_ = 	snop;
	(pc) =	sbr.ind lr, $3  }
0x3a: {  	_ = 	snop  }
0x3b: {  	_ = 	snop  }
0x3c: {  	p2 =	seq.s32 s10, $0x1;
	s10 =	sld [smem:$0x3FB6]  }
0x3d: {  	_ =	shalt  }
0x3e: {  	_ =	shalt  }
0x3f: {  	_ =	shalt  }
0x40: {  	_ =	shalt  }
0x41: {  	_ =	shalt  }
0x42: {  	_ =	shalt  }
0x43: {  	_ =	shalt  }
0x44: {  	_ =	shalt  }
0x45: {  	_ =	shalt  }
0x46: {  	_ =	shalt  }
0x47: {  	_ =	shalt  }
0x48: {  	_ =	shalt  }
0x49: {  	_ =	shalt  }
0x4a: {  	_ =	shalt  }
0x4b: {  	_ =	shalt  }
0x4c: {  	_ =	shalt  }
0x4d: {  	_ =	shalt  }
0x4e: {  	_ =	shalt  }
0x4f: {  	_ =	shalt  }
0x50: {  	_ =	shalt  }
0x51: {  	_ =	shalt  }
0x52: {  	_ =	shalt  }
0x53: {  	_ =	shalt  }
0x54: {  	_ =	shalt  }
0x55: {  	_ =	shalt  }
0x56: {  	_ =	shalt  }
0x57: {  	_ =	shalt  }
0x58: {  	_ =	shalt  }
0x59: {  	_ =	shalt  }
0x5a: {  	_ =	shalt  }
0x5b: {  	_ =	shalt  }
0x5c: {  	_ =	shalt  }
0x5d: {  	_ =	shalt  }
0x5e: {  	_ =	shalt  }
0x5f: {  	_ =	shalt  }
0x60: {  	_ =	shalt  }
0x61: {  	_ =	shalt  }
0x62: {  	_ =	shalt  }
0x63: {  	_ =	shalt  }
0x64: {  	_ =	shalt  }
0x65: {  	_ =	shalt  }
0x66: {  	_ =	shalt  }
0x67: {  	_ =	shalt  }
0x68: {  	_ =	shalt  }
0x69: {  	_ =	shalt  }
0x6a: {  	_ =	shalt  }
0x6b: {  	_ =	shalt  }
0x6c: {  	_ =	shalt  }
0x6d: {  	_ =	shalt  }
0x6e: {  	_ =	shalt  }
0x6f: {  	_ =	shalt  }
0x70: {  	_ =	shalt  }
0x71: {  	_ =	shalt  }
0x72: {  	_ =	shalt  }
0x73: {  	_ =	shalt  }
0x74: {  	_ =	shalt  }
0x75: {  	_ =	shalt  }
0x76: {  	_ =	shalt  }
0x77: {  	_ =	shalt  }
0x78: {  	_ =	shalt  }
0x79: {  	_ =	shalt  }
0x7a: {  	_ =	shalt  }
0x7b: {  	_ =	shalt  }
0x7c: {  	_ =	shalt  }
0x7d: {  	_ =	shalt  }
0x7e: {  	_ =	shalt  }
0x7f: {  	_ =	shalt  }
0x80: {  	_ =	shalt  }
0x81: {  	_ =	shalt  }
0x82: {  	_ =	shalt  }
0x83: {  	_ =	shalt  }
0x84: {  	_ =	shalt  }
0x85: {  	_ =	shalt  }
0x86: {  	_ =	shalt  }
0x87: {  	_ =	shalt  }
.Lfunc_end0:
.L_simem_size_0:
called_computation_lowered:
.L_overlay_start_0:
0x88: {  	s2 =	sld [smem:$0x3FD9]  }
0x89: {  	s3 =	sld [smem:$0x3FFE];
	_ =	sdelay $0x1  }
0x8a: {  	s1 =	srdreg.scid  }
0x8b: {  	s0 =	sand.u32 $0x1, s1  }
0x8c: {  	s16 =	sshll.u32 s0, $0xA;
	s2 =	sadd.s32 s3, s2  }
0x8d: {  	s2 =	sadd.s32 s2, s16  }
0x8e: {  	[smem:$0x3FC2] =	sst s2  }
0x8f: {  	_ = 	snop  }
0x90: {  	(tm) =	ssettm $0x1  }
0x91: {  	s17 =	sld [smem:$0x3FFB];
	_ =	sdelay $0x3  }
0x92: {  	_ =	strace s17  }
0x93: {  	s2 =	sld [smem:$0x3FFC];
	_ =	sdelay $0x3  }
0x94: {  	_ =	strace s2  }
0x95: {  	s2 =	sld [smem:$0x3FFD];
	_ =	sdelay $0x3  }
0x96: {  	_ =	strace s2  }
0x97: {  	_ =	strace $0x8FFFFFFF  }
0x98: {  	s18 =	sld [smem:$0x3FDB];
	_ =	sdelay $0x1  }
0x99: {  	s19 =	simm.s32 $_scs_section_size  }
0x9a: {  	s4 =	simm.s32 $_size__tile_overlayer_lowered;
	s5 =	simm.s32 $_tile_overlayer_lowered  }
0x9b: {  	s22 =	simm.s32 $0x1BFF;
	s21 =	sshll.u32 s5, $0x1;
	s2 =	sadd.s32 s19, s18  }
0x9c: {  	s6 =	simm.s32 $0x0;
	s20 =	sshll.u32 s4, $0x1;
	s4 =	sadd.s32 s21, s2  }
0x9d: {  	[timem:s6], [sflag:s22] =	dma.local [hbm:s4], s20  }
0x9e: {  	_ =	swait.ge [sflag:s22], s20  }
0x9f: {  	s3 =	ssub.s32 $0x0, s20;
	[sflag:s22] =	ssyncset.done $0x0  }
0xa0: {  	[sflag:s22] =	ssyncadd.s32 s3;
	_ =	sdelay $0x1  }
0xa1: {  	s23 =	simm.s32 $0x1B8B  }
0xa2: {  	_ =	swait.ge [sflag:s23], $0x1  }
0xa3: {  	[sflag:s23] =	ssyncset.done $0x0  }
0xa4: {  	s25 =	simm.s32 $0x1B8E;
	s24 =	sld [smem:$0x3FFE];
	[sflag:s23] =	ssyncadd.s32 $0xFFFFFFFF  }
0xa5: {  	s26 =	simm.s32 $execute0_lowered;
	[smem:$0x3FD2] =	sst s25  }
0xa6: {  	s4 =	sshll.u32 s26, $0x1;
	_ =	strace $0x80000046;
	[dreg:$0x1] =	wrdreg $0xFFFFFFFF  }
0xa7: {  	s28 =	simm.s32 $_size_execute0_lowered;
	s2 =	sadd.s32 s2, s4;
	[dreg:$0x0] =	wrdreg $0x0  }
0xa8: {  	s4 =	sshll.u32 s28, $0x1;
	[dreg:$0x2] =	wrdreg s2  }
0xa9: {  	[dreg:$0x3] =	wrdreg s4  }
0xaa: {  	[dreg:$0x4] =	wrdreg $0xC0  }
0xab: {  	_ =	task [dreg:s6], $0x5FFFF  }
0xac: {  	[dreg:$0x1] =	wrdreg $0xFFFFFFFF  }
0xad: {  	[dreg:$0x0] =	wrdreg $0x60  }
0xae: {  	[dreg:$0x2] =	wrdreg s24  }
0xaf: {  	[dreg:$0x3] =	wrdreg $0x2C100  }
0xb0: {  	[dreg:$0x4] =	wrdreg $0x9  }
0xb1: {  	_ =	task.clear_ibuf [dreg:s6], $0x5FFFF;
	_ =	strace $0x90000046  }
0xb2: {  	s29 =	simm.s32 $0x9;
	_ =	strace $0x80000048  }
0xb3: {  	_ =	swait.ge [sflag:s29], $0x1  }
0xb4: {  	[sflag:s29] =	ssyncadd.s32 $0xFFFFFFFF  }
0xb5: {  	_ =	strace $0x90000048  }
0xb6: {  	_ =	sfence  }
0xb7: {  	s30 =	sld [smem:$0x0];
	_ =	sdelay $0x2  }
0xb8: {  	s31 =	sshll.u32 s1, $0xD;
	s1 =	sshrl.u32 s1, $0x2  }
0xb9: {  	s3 =	sand.u32 $0x4000, s31;
	s1 =	sadd.s32 s1, s30  }
0xba: {  	s0 =	sor.u32 s3, s0;
	s1 =	sshll.u32 s1, $0x11  }
0xbb: {  	s0 =	sor.u32 s1, s0  }
0xbc: {  	s0 =	sadd.s32 $0x8F2B, s0  }
0xbd: {  	[sflag:s0] =	ssyncadd.remote.s32 $0x1  }
0xbe: {  	_ =	sfence.sel $0xFFFF  }
0xbf: {  	[dreg:$0x0] =	wrdreg $0xFFFFFFFF;
	(pc) =	sbr.abs _section_cstart, $3  }
0xc0: {  	[dreg:$0x1] =	wrdreg $0xFFFFFFFF  }
0xc1: {  	_ =	task.clear_ibuf [dreg:s6], $0x2FFFF;
	_ =	strace $0x9FFFFFFF  }
0xc2: {  	(tm) =	ssettm $0x7FFFFFFF  }
0xc3: {  	_ =	shalt  }
tec
execute0_lowered:
.L_overlay_start_1:
0x0: {  	(tag) =	ssettag $0x1  }
0x1: {  	s5 =	rddreg [dreg:$0x0]  }
0x2: {  	s0 =	srdreg.scid;
	s2 =	rddreg [dreg:$0x1]  }
0x3: {  	s3 =	simm.s32 $0x0;
	s26 =	simm.s32 $0x1;
	s4 =	sand.u32 $0x1, s0  }
0x4: {  	s28 =	simm.s32 $0x0;
	s0 =	stileid.u32;
	s19 =	smul.u32 $0x28000, s4  }
0x5: {  	[smem:$0x7FF] =	sst s3;
	s1 =	sshll.u32 s4, $0x4;
	s15 =	smul.u32 $0x2800, s0  }
0x6: {  	s4 =	ssub.s32 $0x2, s4;
	s8 =	smul.u32 $0xA000, s0;
	s1 =	sor.u32 s0, s1  }
0x7: {  	s21 =	sadd.s32 $0x15800, s5;
	s7 =	sshrl.u32 s4, $0x1;
	s6 =	smul.u32 $0x4E2, s1  }
0x8: {  	s1 =	rddreg [dreg:$0x2];
	_ =	strace $0x80000047;
	s30 =	sadd.s32 s19, s15  }
0x9: {  	s7 =	ssub.s32 s4, s7;
	s31 =	sshrl.u32 s8, $0x2;
	s13 =	sor.u32 $0x500, s15  }
0xa: {  	s16 =	sadd.s32 $0xA00, s15;
	s17 =	sadd.s32 $0xF00, s15;
	s18 =	sadd.s32 $0x1400, s15  }
0xb: {  	s20 =	sadd.s32 $0x1900, s15;
	s22 =	sadd.s32 $0x1E00, s15;
	s23 =	sadd.s32 $0x2300, s15  }
0xc: {  	s25 =	sadd.s32 s15, s2;
	s8 =	sadd.s32 s13, s2;
	s9 =	sadd.s32 s16, s2  }
0xd: {  	s10 =	sadd.s32 s17, s2;
	s11 =	sadd.s32 s18, s2;
	s12 =	sadd.s32 s20, s2  }
0xe: {  	s14 =	sadd.s32 s19, s13;
	s13 =	sadd.s32 s22, s2;
	s16 =	sadd.s32 s19, s16  }
0xf: {  	s17 =	sadd.s32 s19, s17;
	s18 =	sadd.s32 s19, s18;
	s20 =	sadd.s32 s19, s20  }
0x10: {  	s22 =	sadd.s32 s19, s22;
	s19 =	sadd.s32 s19, s23;
	s25 =	sshrl.u32 s25, $0x3  }
0x11: {  	s6 =	sadd.s32 s6, s5;
	s5 =	sshrl.u32 s30, $0x3;
	s24 =	sshrl.u32 s14, $0x3  }
0x12: {  	s14 =	sadd.s32 s23, s2;
	s16 =	sshrl.u32 s16, $0x3;
	s17 =	sshrl.u32 s17, $0x3  }
0x13: {  	s18 =	sshrl.u32 s18, $0x3;
	s20 =	sshrl.u32 s20, $0x3;
	s22 =	sshrl.u32 s22, $0x3  }
0x14: {  	s23 =	sshrl.u32 s19, $0x3;
	s4 =	sadd.s32 $0x1C00, s6;
	s5 =	sadd.s32 s21, s5  }
0x15: {  	s6 =	smax.u32 s7, $0x1;
	s7 =	sadd.s32 s31, s2;
	s15 =	sadd.s32 s21, s24  }
0x16: {  	s16 =	sadd.s32 s21, s16;
	s17 =	sadd.s32 s21, s17;
	s18 =	sadd.s32 s21, s18  }
0x17: {  	s19 =	sadd.s32 s21, s20;
	s20 =	sadd.s32 s21, s22;
	s21 =	sadd.s32 s21, s23  }
0x18: {  	v0 =	vimm.f32 $0.0e+00;
	v1 =	vimm.f32 $1.000000000e+00;
	s22 =	simm.s32 $0x2710;
	s23 =	simm.s32 $0x2;
	s24 =	simm.s32 $0x50  }
.LBB2_1:
0x19: {  	s29 =	simm.s32 $0x40;
	s30 =	simm.s32 $0x0  }
.LBB2_2:
0x1a: {  	p0 =	sne.s32 s29, $0x13C0;
	[tilespmem:s30+$0x2710] =	vst v0;
	s30 =	smov.u32 s29;
	s29 =	sadd.s32 $0x40, s29  }
.Ltmp0:
0x1b: {  	(pc) =	sbr.rel @p0 .LBB2_2-.Ltmp0, $2  }
0x1c: {  	_ =	sdelay $0x2  }
0x1d: {  	s30 =	sshra.s32 s30, $0x2  }
0x1e: {  	[tilespmem:s30+$0x2710] =	vst v0  }
0x1f: {  	[spmem:s7] =	stream.linear.scatter [tilespmem:s22], [sflag:$0x2], $0x500, $0x38;
	[tilespmem:$0x5410] =	vst v63  }
0x20: {  	_ =	swait.ge [sflag:s23], $0x500  }
0x21: {  	[sflag:s23] =	ssyncset.done $0x0  }
0x22: {  	[sflag:s23] =	ssyncadd.s32 $0xFFFFFB00  }
0x23: {  	[spmem:s8] =	stream.linear.scatter [tilespmem:s22], [sflag:$0x2], $0x500, $0x38;
	[tilespmem:$0x5410] =	vst v63  }
0x24: {  	_ =	swait.ge [sflag:s23], $0x500  }
0x25: {  	[sflag:s23] =	ssyncset.done $0x0  }
0x26: {  	[sflag:s23] =	ssyncadd.s32 $0xFFFFFB00  }
0x27: {  	[spmem:s9] =	stream.linear.scatter [tilespmem:s22], [sflag:$0x2], $0x500, $0x38;
	[tilespmem:$0x5410] =	vst v63  }
0x28: {  	_ =	swait.ge [sflag:s23], $0x500  }
0x29: {  	[sflag:s23] =	ssyncset.done $0x0  }
0x2a: {  	[sflag:s23] =	ssyncadd.s32 $0xFFFFFB00  }
0x2b: {  	[spmem:s10] =	stream.linear.scatter [tilespmem:s22], [sflag:$0x2], $0x500, $0x38;
	[tilespmem:$0x5410] =	vst v63  }
0x2c: {  	_ =	swait.ge [sflag:s23], $0x500  }
0x2d: {  	[sflag:s23] =	ssyncset.done $0x0  }
0x2e: {  	[sflag:s23] =	ssyncadd.s32 $0xFFFFFB00  }
0x2f: {  	[spmem:s11] =	stream.linear.scatter [tilespmem:s22], [sflag:$0x2], $0x500, $0x38;
	[tilespmem:$0x5410] =	vst v63  }
0x30: {  	_ =	swait.ge [sflag:s23], $0x500  }
0x31: {  	[sflag:s23] =	ssyncset.done $0x0  }
0x32: {  	[sflag:s23] =	ssyncadd.s32 $0xFFFFFB00  }
0x33: {  	[spmem:s12] =	stream.linear.scatter [tilespmem:s22], [sflag:$0x2], $0x500, $0x38;
	[tilespmem:$0x5410] =	vst v63  }
0x34: {  	_ =	swait.ge [sflag:s23], $0x500  }
0x35: {  	[sflag:s23] =	ssyncset.done $0x0  }
0x36: {  	[sflag:s23] =	ssyncadd.s32 $0xFFFFFB00  }
0x37: {  	[spmem:s13] =	stream.linear.scatter [tilespmem:s22], [sflag:$0x2], $0x500, $0x38;
	[tilespmem:$0x5410] =	vst v63  }
0x38: {  	_ =	swait.ge [sflag:s23], $0x500  }
0x39: {  	[sflag:s23] =	ssyncset.done $0x0  }
0x3a: {  	[sflag:s23] =	ssyncadd.s32 $0xFFFFFB00  }
0x3b: {  	[spmem:s14] =	stream.linear.scatter [tilespmem:s22], [sflag:$0x2], $0x500, $0x38;
	[tilespmem:$0x5410] =	vst v63  }
0x3c: {  	_ =	swait.ge [sflag:s23], $0x500  }
0x3d: {  	[sflag:s23] =	ssyncset.done $0x0  }
0x3e: {  	s29 =	simm.s32 $0x0;
	[sflag:s23] =	ssyncadd.s32 $0xFFFFFB00  }
0x3f: {  	[tilespmem:s29], [sflag:$0x2] =	stream.linear.gather [hbm4b:s4+s29], $0x2710, $0x38;
	[tilespmem:$0x5410] =	vst v63  }
0x40: {  	_ =	swait.ge [sflag:s23], $0x2710  }
0x41: {  	[sflag:s23] =	ssyncset.done $0x0  }
0x42: {  	s30 =	simm.s32 $0x0;
	s29 =	simm.s32 $0x40;
	[sflag:s23] =	ssyncadd.s32 $0xFFFFD8F0  }
.LBB2_4:
0x43: {  	p0 =	sne.s32 s29, $0x13C0;
	[tilespmem:s30+$0x2710] =	vst v1;
	s30 =	smov.u32 s29;
	s29 =	sadd.s32 $0x40, s29  }
.Ltmp1:
0x44: {  	(pc) =	sbr.rel @p0 .LBB2_4-.Ltmp1, $2  }
0x45: {  	_ =	sdelay $0x2  }
0x46: {  	s30 =	sshra.s32 s30, $0x2  }
0x47: {  	[tilespmem:s30+$0x2710] =	vst v1  }
0x48: {  	[bflag:$0x0] =	sbarrier.arrive $0xFFFF  }
0x49: {  	[spmem:s2] =	stream.indirect.scatter.add.f32 [tilespmem:s22], [sflag:$0x1], $0x10, s3, s24, $0xb8;
	[tilespmem:$0x5410] =	vst v63  }
0x4a: {  	s29 =	simm.s32 $0x50  }
0x4b: {  	[spmem:s2] =	stream.indirect.scatter.add.f32 [tilespmem:s22], [sflag:$0x1], $0x10, s29, s24, $0xb8;
	[tilespmem:$0x5410] =	vst v63  }
0x4c: {  	_ =	swait.ge [sflag:s26], $0x500  }
0x4d: {  	s29 =	simm.s32 $0x280;
	[sflag:s26] =	ssyncset.done $0x0  }
.LBB2_6:
0x4e: {  	s30 =	sshra.s32 s29, $0x2;
	[sflag:s26] =	ssyncadd.s32 $0xFFFFFB00;
	p0 =	sne.s32 s29, $0x9B00  }
0x4f: {  	[spmem:s2] =	stream.indirect.scatter.add.f32 [tilespmem:s22], [sflag:$0x1], $0x10, s30, s24, $0xb8;
	[tilespmem:$0x5410] =	vst v63  }
.Ltmp2:
0x50: {  	_ = 	snop;
	(pc) =	sbr.rel @p0 .LBB2_6-.Ltmp2, $4  }
0x51: {  	_ = 	snop  }
0x52: {  	s29 =	sadd.s32 $0x140, s29  }
0x53: {  	_ =	swait.ge [sflag:s26], $0x500  }
0x54: {  	[sflag:s26] =	ssyncset.done $0x0  }
0x55: {  	[sflag:s26] =	ssyncadd.s32 $0xFFFFFB00  }
0x56: {  	_ =	swait.ge [sflag:s26], $0x500  }
0x57: {  	[sflag:s26] =	ssyncset.done $0x0  }
0x58: {  	s29 =	sshll.u32 s0, $0x6;
	[sflag:s26] =	ssyncadd.s32 $0xFFFFFB00  }
0x59: {  	s29 =	sor.u32 $0x1C02, s29;
	[bflag:$0x0] =	sbarrier.arrive $0xFFFF  }
0x5a: {  	[hbm:s5], [sflag:s29] =	dma.local [spmem:s25], $0xA0  }
0x5b: {  	_ =	swait.ge [sflag:s23], $0xA0  }
0x5c: {  	[sflag:s23] =	ssyncset.done $0x0  }
0x5d: {  	s30 =	sshrl.u32 s8, $0x3;
	[sflag:s23] =	ssyncadd.s32 $0xFFFFFF60  }
0x5e: {  	[hbm:s15], [sflag:s29] =	dma.local [spmem:s30], $0xA0  }
0x5f: {  	_ =	swait.ge [sflag:s23], $0xA0  }
0x60: {  	[sflag:s23] =	ssyncset.done $0x0  }
0x61: {  	s31 =	sshrl.u32 s9, $0x3;
	[sflag:s23] =	ssyncadd.s32 $0xFFFFFF60  }
0x62: {  	[hbm:s16], [sflag:s29] =	dma.local [spmem:s31], $0xA0  }
0x63: {  	_ =	swait.ge [sflag:s23], $0xA0  }
0x64: {  	[sflag:s23] =	ssyncset.done $0x0  }
0x65: {  	s31 =	sshrl.u32 s10, $0x3;
	[sflag:s23] =	ssyncadd.s32 $0xFFFFFF60  }
0x66: {  	[hbm:s17], [sflag:s29] =	dma.local [spmem:s31], $0xA0  }
0x67: {  	_ =	swait.ge [sflag:s23], $0xA0  }
0x68: {  	[sflag:s23] =	ssyncset.done $0x0  }
0x69: {  	s31 =	sshrl.u32 s11, $0x3;
	[sflag:s23] =	ssyncadd.s32 $0xFFFFFF60  }
0x6a: {  	[hbm:s18], [sflag:s29] =	dma.local [spmem:s31], $0xA0  }
0x6b: {  	_ =	swait.ge [sflag:s23], $0xA0  }
0x6c: {  	[sflag:s23] =	ssyncset.done $0x0  }
0x6d: {  	s31 =	sshrl.u32 s12, $0x3;
	[sflag:s23] =	ssyncadd.s32 $0xFFFFFF60  }
0x6e: {  	[hbm:s19], [sflag:s29] =	dma.local [spmem:s31], $0xA0  }
0x6f: {  	_ =	swait.ge [sflag:s23], $0xA0  }
0x70: {  	[sflag:s23] =	ssyncset.done $0x0  }
0x71: {  	s31 =	sshrl.u32 s13, $0x3;
	[sflag:s23] =	ssyncadd.s32 $0xFFFFFF60  }
0x72: {  	[hbm:s20], [sflag:s29] =	dma.local [spmem:s31], $0xA0  }
0x73: {  	s28 =	sadd.s32 $0x1, s28;
	_ =	swait.ge [sflag:s23], $0xA0  }
0x74: {  	p0 =	sne.s32 s28, s6;
	[sflag:s23] =	ssyncset.done $0x0  }
.Ltmp3:
0x75: {  	s31 =	sshrl.u32 s14, $0x3;
	[sflag:s23] =	ssyncadd.s32 $0xFFFFFF60;
	(pc) =	sbr.rel @p0 .LBB2_1-.Ltmp3, $4  }
0x76: {  	[hbm:s21], [sflag:s29] =	dma.local [spmem:s31], $0xA0  }
0x77: {  	_ =	swait.ge [sflag:s23], $0xA0  }
0x78: {  	[sflag:s23] =	ssyncset.done $0x0  }
0x79: {  	[sflag:s23] =	ssyncadd.s32 $0xFFFFFF60  }
0x7a: {  	_ =	sfence.sel $0x180000  }
0x7b: {  	[bflag:$0x0] =	sbarrier.arrive $0xFFFF  }
0x7c: {  	p0 =	sne.s32 s0, $0x0;
	_ =	strace $0x90000047  }
0x7d: {  	s0 =	sadd.s32 @!p0 $0x100000, s1;
	[bflag:$0x2] =	sbarrier.arrive $0xFFFF  }
0x7e: {  	[sflag:s0] =	ssyncadd.tile.s32 @!p0 $0x1;
	_ =	shalt  }
.Lfunc_end2:
_tile_overlayer_lowered:
.L_overlay_start_2:
0x7f: {  	(tag) =	ssettag $0x2  }
0x80: {  	s0 =	rddreg [dreg:$0x0];
	s2 =	stileid.u32  }
0x81: {  	s1 =	rddreg [dreg:$0x1];
	p0 =	sne.s32 s2, $0x0  }
0x82: {  	s3 =	rddreg [dreg:$0x2];
	[bflag:$0x3] =	sbarrier.arrive $0xFFFF;
	s2 =	simm.s32 @!p0 $0x1C02  }
0x83: {  	[timem:s3], [sflag:s2] =	dma.local @!p0 [hbm:s0], s1  }
0x84: {  	s0 =	simm.s32 @!p0 $0x2  }
0x85: {  	_ =	swait.ge @!p0 [sflag:s0], s1  }
0x86: {  	s1 =	ssub.s32 @!p0 $0x0, s1;
	[sflag:s0] =	ssyncset.done @!p0 $0x0  }
0x87: {  	[sflag:s0] =	ssyncadd.s32 @!p0 s1  }
0x88: {  	[bflag:$0x3] =	sbarrier.arrive $0xFFFF  }
0x89: {  	_ =	shalt  }

</sc_bundles>
